<compile_context>
chip_gen: v7x
topology: tpu7x:2x2x1
jax: 0.10.2.dev20260603
libtpu: 0.0.44.dev20260713+nightly
codegen_flags: <defaults>
</compile_context>

<pallas_src>
import jax
import jax.numpy as jnp
from jax import lax
from jax.experimental import pallas as pl
from jax.experimental.pallas import tpu as pltpu
from jax.experimental.pallas import tpu_sc as plsc

E = 8
TILE = 256
NT = 16
TPAD = NT * TILE
SC_CORES = 2
SC_SUBCORES = 16
NW = SC_CORES * SC_SUBCORES


def _router_dispatch_body(x_ref, tt_ref, rw_ref, rb_ref,
                          pos_ref, te_ref, tv_ref, aux_ref):
    T, _ = x_ref.shape
    ttb = jnp.broadcast_to(tt_ref[...], (T, tt_ref.shape[1]))
    rin = jnp.concatenate([x_ref[...], ttb], axis=-1)
    logits = jnp.dot(rin, rw_ref[...], preferred_element_type=jnp.float32)
    logits = logits + rb_ref[...]
    m = jnp.max(logits, axis=1, keepdims=True)
    ex = jnp.exp(logits - m)
    probs = ex / jnp.sum(ex, axis=1, keepdims=True)
    lane = lax.broadcasted_iota(jnp.int32, (T, E), 1)
    eid = jnp.min(jnp.where(logits == m, lane, E), axis=1, keepdims=True)
    onehot = (lane == eid).astype(jnp.float32)
    counts = jnp.sum(onehot, axis=0, keepdims=True)
    imps = jnp.sum(probs, axis=0, keepdims=True)
    aux_ref[...] = (E / (T * T)) * jnp.sum(imps * counts, axis=(0, 1),
                                           keepdims=True)
    ci = counts.astype(jnp.int32)
    pc = ((ci + (TILE - 1)) // TILE) * TILE
    pcf = pc.astype(jnp.float32)
    er = lax.broadcasted_iota(jnp.int32, (E, E), 0)
    ec = lax.broadcasted_iota(jnp.int32, (E, E), 1)
    upper = (er < ec).astype(jnp.float32)
    off = jnp.dot(pcf, upper,
                  preferred_element_type=jnp.float32)
    ends = off + pcf
    CH = 128
    NC = T // CH
    r1 = lax.broadcasted_iota(jnp.int32, (CH, CH), 0)
    c1 = lax.broadcasted_iota(jnp.int32, (CH, CH), 1)
    sl1 = (c1 < r1).astype(jnp.float32)
    chunk_tots = []
    local_ranks = []
    for b in range(NC):
        ohb = onehot[b * CH:(b + 1) * CH, :]
        local_ranks.append(jnp.dot(sl1, ohb,
                                   preferred_element_type=jnp.float32))
        chunk_tots.append(jnp.sum(ohb, axis=0, keepdims=True))
    tots = jnp.concatenate(chunk_tots, axis=0)
    r2 = lax.broadcasted_iota(jnp.int32, (NC, NC), 0)
    c2 = lax.broadcasted_iota(jnp.int32, (NC, NC), 1)
    sl2 = (c2 < r2).astype(jnp.float32)
    carry = jnp.dot(sl2, tots,
                    preferred_element_type=jnp.float32)
    pos_rows = []
    for b in range(NC):
        slot = (local_ranks[b] + carry[b:b + 1, :] + off)
        ohb = onehot[b * CH:(b + 1) * CH, :]
        sel = jnp.transpose(slot * ohb)
        pos_rows.append(jnp.sum(sel, axis=0, keepdims=True))
    pos_ref[...] = jnp.concatenate(pos_rows, axis=0).astype(jnp.int32)
    tstart = (lax.broadcasted_iota(jnp.int32, (NT, E), 0) * TILE).astype(
        jnp.float32)
    ends_b = jnp.broadcast_to(ends, (NT, E))
    te = jnp.sum((ends_b <= tstart).astype(jnp.float32), axis=1,
                 keepdims=True).astype(jnp.int32)
    te_ref[...] = jnp.minimum(te, E - 1)
    total = jnp.sum(pcf, axis=1, keepdims=True)
    tv_ref[...] = (tstart[:, :1] < total).astype(jnp.int32)


def _ffn_body(te_ref, tv_ref, xs_ref, w1_ref, b1_ref, w2_ref, b2_ref,
              out_ref):
    i = pl.program_id(0)

    @pl.when(tv_ref[i, 0] > 0)
    def _():
        e = te_ref[i, 0]
        xt = xs_ref[...]
        h = jnp.dot(xt, w1_ref[0], preferred_element_type=jnp.float32)
        h = h + b1_ref[pl.ds(e, 1), :]
        h = 0.5 * h * (1.0 + lax.erf(h * (2.0 ** -0.5)))
        y = jnp.dot(h, w2_ref[0], preferred_element_type=jnp.float32)
        out_ref[...] = y + b2_ref[pl.ds(e, 1), :]


def _sc_scatter_body(x_hbm, pos_hbm, out_hbm, idx_v, rows_v, sem0, sem1):
    chunk = idx_v.shape[0]
    half = chunk // 2
    wid = lax.axis_index("s") * SC_CORES + lax.axis_index("c")
    base = wid * chunk
    pltpu.sync_copy(pos_hbm.at[pl.ds(base, chunk)], idx_v)
    cp0 = pltpu.async_copy(x_hbm.at[pl.ds(base, half)],
                           rows_v.at[pl.ds(0, half)], sem0)
    cp1 = pltpu.async_copy(x_hbm.at[pl.ds(base + half, half)],
                           rows_v.at[pl.ds(half, half)], sem1)
    cp0.wait()
    sc0 = pltpu.async_copy(rows_v.at[pl.ds(0, half)],
                           out_hbm.at[idx_v.at[pl.ds(0, half)]], sem0)
    cp1.wait()
    sc1 = pltpu.async_copy(rows_v.at[pl.ds(half, half)],
                           out_hbm.at[idx_v.at[pl.ds(half, half)]], sem1)
    sc0.wait()
    sc1.wait()


def _sc_gather_body(ys_hbm, pos_hbm, out_hbm, idx_v, rows_v, sem0, sem1):
    chunk = idx_v.shape[0]
    half = chunk // 2
    wid = lax.axis_index("s") * SC_CORES + lax.axis_index("c")
    base = wid * chunk
    pltpu.sync_copy(pos_hbm.at[pl.ds(base, chunk)], idx_v)
    g0 = pltpu.async_copy(ys_hbm.at[idx_v.at[pl.ds(0, half)]],
                          rows_v.at[pl.ds(0, half)], sem0)
    g1 = pltpu.async_copy(ys_hbm.at[idx_v.at[pl.ds(half, half)]],
                          rows_v.at[pl.ds(half, half)], sem1)
    g0.wait()
    cp0 = pltpu.async_copy(rows_v.at[pl.ds(0, half)],
                           out_hbm.at[pl.ds(base, half)], sem0)
    g1.wait()
    cp1 = pltpu.async_copy(rows_v.at[pl.ds(half, half)],
                           out_hbm.at[pl.ds(base + half, half)], sem1)
    cp0.wait()
    cp1.wait()


def kernel(x, task_token, router_w, router_b, w1, b1, w2, b2):
    Bs, Ls, D = x.shape
    T = Bs * Ls
    F = w1.shape[-1]
    xt = x.reshape(T, D)
    rb = router_b.reshape(1, E)

    pos2, te2, tv2, aux = pl.pallas_call(
        _router_dispatch_body,
        out_shape=(
            jax.ShapeDtypeStruct((T // 128, 128), jnp.int32),
            jax.ShapeDtypeStruct((NT, 1), jnp.int32),
            jax.ShapeDtypeStruct((NT, 1), jnp.int32),
            jax.ShapeDtypeStruct((1, 1), jnp.float32),
        ),
    )(xt, task_token, router_w, rb)
    pos = pos2.reshape(T)

    chunk = T // NW
    mesh = plsc.VectorSubcoreMesh(core_axis_name="c", subcore_axis_name="s")
    xs = pl.kernel(
        _sc_scatter_body,
        out_type=jax.ShapeDtypeStruct((TPAD, D), jnp.float32),
        mesh=mesh,
        scratch_types=[
            pltpu.VMEM((chunk,), jnp.int32),
            pltpu.VMEM((chunk, D), jnp.float32),
            pltpu.SemaphoreType.DMA,
            pltpu.SemaphoreType.DMA,
        ],
    )(xt, pos)

    grid_spec = pltpu.PrefetchScalarGridSpec(
        num_scalar_prefetch=2,
        grid=(NT,),
        in_specs=[
            pl.BlockSpec((TILE, D),
                         lambda i, te_r, tv_r: (i * tv_r[i, 0], 0)),
            pl.BlockSpec((1, D, F),
                         lambda i, te_r, tv_r: (te_r[i, 0], 0, 0)),
            pl.BlockSpec((E, F), lambda i, te_r, tv_r: (0, 0)),
            pl.BlockSpec((1, F, D),
                         lambda i, te_r, tv_r: (te_r[i, 0], 0, 0)),
            pl.BlockSpec((E, D), lambda i, te_r, tv_r: (0, 0)),
        ],
        out_specs=pl.BlockSpec((TILE, D), lambda i, te_r, tv_r: (i, 0)),
    )
    ys = pl.pallas_call(
        _ffn_body,
        grid_spec=grid_spec,
        out_shape=jax.ShapeDtypeStruct((TPAD, D), jnp.float32),
    )(te2, tv2, xs, w1, b1, w2, b2)

    yt = pl.kernel(
        _sc_gather_body,
        out_type=jax.ShapeDtypeStruct((T, D), jnp.float32),
        mesh=mesh,
        scratch_types=[
            pltpu.VMEM((chunk,), jnp.int32),
            pltpu.VMEM((chunk, D), jnp.float32),
            pltpu.SemaphoreType.DMA,
            pltpu.SemaphoreType.DMA,
        ],
    )(ys, pos)

    return yt.reshape(Bs, Ls, D), aux.reshape(())

# --- scband reference (transcript-rebuilt; emitter-appended) ---
"""Pipeline reference for scband-tamo-e-84997402788510 (READ-ONLY COPY).

The authoritative reference and input builder live on the scoring server;
editing this copy changes nothing except your own understanding.
"""

import jax, jax.numpy as jnp
import numpy as np

D_MODEL = 768
D_FF = 1024
E = 8
TOPK = 1
D_TASK = 16
TEMP = 1.0
B, L = 1, 2048


def setup_inputs(seed: int = 0) -> dict:
    key = jax.random.key(seed)
    ks = jax.random.split(key, 8)
    x = jax.random.normal(ks[0], (B, L, D_MODEL), dtype=jnp.float32)
    task_token = jax.random.normal(ks[1], (B, D_TASK), dtype=jnp.float32)
    s_r = 1.0 / np.sqrt(D_MODEL + D_TASK)
    router_w = jax.random.uniform(ks[2], (D_MODEL + D_TASK, E), minval=-s_r, maxval=s_r, dtype=jnp.float32)
    router_b = jnp.zeros((E,), jnp.float32)
    s1 = 1.0 / np.sqrt(D_MODEL)
    w1 = jax.random.uniform(ks[3], (E, D_MODEL, D_FF), minval=-s1, maxval=s1, dtype=jnp.float32)
    b1 = jax.random.uniform(ks[4], (E, D_FF), minval=-s1, maxval=s1, dtype=jnp.float32)
    s2 = 1.0 / np.sqrt(D_FF)
    w2 = jax.random.uniform(ks[5], (E, D_FF, D_MODEL), minval=-s2, maxval=s2, dtype=jnp.float32)
    b2 = jax.random.uniform(ks[6], (E, D_MODEL), minval=-s2, maxval=s2, dtype=jnp.float32)
    return {"x": x, "task_token": task_token, "router_w": router_w, "router_b": router_b,
            "w1": w1, "b1": b1, "w2": w2, "b2": b2}


def reference(x, task_token, router_w, router_b, w1, b1, w2, b2):
    Bs, Ls, D = x.shape
    T = Bs * Ls
    xt = x.reshape(T, D)
    # task-adaptive router: concat fusion of token features with task token
    tt = jnp.repeat(task_token, Ls, axis=0)  # [T, d_task]
    rin = jnp.concatenate([xt, tt], axis=-1)
    logits = (rin @ router_w + router_b) / TEMP  # [T, E]
    probs = jax.nn.softmax(logits, axis=-1)
    topv, topi = jax.lax.top_k(probs, TOPK)
    gates = topv / jnp.sum(topv, axis=-1, keepdims=True)  # renormalized top-k gates
    G = jnp.zeros((T, E), x.dtype)
    H = jnp.zeros((T, E), x.dtype)  # hard assignment counts for load
    for k in range(TOPK):
        G = G.at[jnp.arange(T), topi[:, k]].add(gates[:, k])
        H = H.at[jnp.arange(T), topi[:, k]].add(1.0)
    # routed experts: Linear -> GELU -> (Dropout p=0) -> Linear
    h = jnp.einsum('td,edf->tef', xt, w1) + b1[None, :, :]
    h = jax.nn.gelu(h, approximate=False)
    ye = jnp.einsum('tef,efd->ted', h, w2) + b2[None, :, :]
    y = jnp.einsum('te,ted->td', G, ye)
    # auxiliary load-balancing loss (importance * load)
    importance = jnp.mean(probs, axis=0)
    load = jnp.mean(H, axis=0) / TOPK
    aux_loss = E * jnp.sum(importance * load)
    return y.reshape(Bs, Ls, D), aux_loss

if __name__ == "__main__":
    import jax
    _d = setup_inputs()
    print(jax.jit(kernel)(*tuple(_d.values())))

</pallas_src>

<mosaic_0001>
#map = affine_map<(d0, d1) -> (0, 0)>
#map1 = affine_map<(d0, d1) -> (0)>
module attributes {stable_mosaic.version = 14 : i64} {
  func.func @_sc_gather_body(%arg0: i32, %arg1: i32, %arg2: memref<4096x768xf32, #tpu.memory_space<hbm>>, %arg3: memref<2048xi32, #tpu.memory_space<hbm>>, %arg4: memref<2048x768xf32, #tpu.memory_space<hbm>>, %arg5: memref<64xi32, #tpu.memory_space<vmem>>, %arg6: memref<64x768xf32, #tpu.memory_space<vmem>>, %arg7: memref<!tpu.dma_semaphore, #tpu.memory_space<semaphore_mem>>, %arg8: memref<!tpu.dma_semaphore, #tpu.memory_space<semaphore_mem>>) attributes {dimension_semantics = [#tpu.dimension_semantics<core_parallel>, #tpu.dimension_semantics<subcore_parallel>], iteration_bounds = array<i64: 2, 16>, scalar_prefetch = 0 : i64, scratch_operands = 4 : i64, tpu.core_type = #tpu.core_type<sc_vector_subcore>, window_params = [{transform_indices = #map}, {transform_indices = #map1}, {transform_indices = #map}]} {
    %mul3A = arith.constant 2 : i32
    %mul3A_0 = arith.muli %arg1, %mul3A : i32
    %add3A = arith.addi %mul3A_0, %arg0 : i32
    %mul3A_1 = arith.constant 64 : i32
    %mul3A_2 = arith.muli %add3A, %mul3A_1 : i32
    "tpu.region"() ({
      %run_scoped3A = tpu.sem_alloc : memref<!tpu.dma_semaphore, #tpu.memory_space<semaphore_mem>>
      %dma_start3A_75 = tpu.memref_slice %arg3[%mul3A_2] : memref<2048xi32, #tpu.memory_space<hbm>> -> memref<64xi32, #tpu.memory_space<hbm>>
      %dma_start3A_76 = tpu.memref_slice %arg3[%mul3A_2] : memref<2048xi32, #tpu.memory_space<hbm>> -> memref<64xi32, #tpu.memory_space<hbm>>
      tpu.enqueue_dma source(%dma_start3A_76 : memref<64xi32, #tpu.memory_space<hbm>>) target(%arg5 : memref<64xi32, #tpu.memory_space<vmem>>) target_semaphore(%run_scoped3A : memref<!tpu.dma_semaphore, #tpu.memory_space<semaphore_mem>>)
      %dma_wait3A_77 = tpu.memref_slice %arg3[%mul3A_2] : memref<2048xi32, #tpu.memory_space<hbm>> -> memref<64xi32, #tpu.memory_space<hbm>>
      %dma_wait3A_78 = tpu.memref_slice %arg3[%mul3A_2] : memref<2048xi32, #tpu.memory_space<hbm>> -> memref<64xi32, #tpu.memory_space<hbm>>
      tpu.wait_dma2 semaphore(%run_scoped3A : memref<!tpu.dma_semaphore, #tpu.memory_space<semaphore_mem>>) src(%dma_wait3A_78 : memref<64xi32, #tpu.memory_space<hbm>>) dst(%arg5 : memref<64xi32, #tpu.memory_space<vmem>>)
      tpu.yield
    }) : () -> ()
    %dma_start3A = arith.constant 0 : i32
    %dma_start3A_3 = arith.constant 0 : i32
    %dma_start3A_4 = tpu.memref_slice %arg6[%dma_start3A, %dma_start3A_3] : memref<64x768xf32, #tpu.memory_space<vmem>> -> memref<32x768xf32, #tpu.memory_space<vmem>>
    %dma_start3A_5 = arith.constant 0 : i32
    %dma_start3A_6 = tpu.memref_slice %arg5[%dma_start3A_5] : memref<64xi32, #tpu.memory_space<vmem>> -> memref<32xi32, #tpu.memory_space<vmem>>
    %dma_start3A_7 = arith.constant 0 : i32
    %dma_start3A_8 = arith.constant 0 : i32
    %dma_start3A_9 = tpu.memref_slice %arg2[%dma_start3A_7, %dma_start3A_8] : memref<4096x768xf32, #tpu.memory_space<hbm>> -> memref<4096x768xf32, #tpu.memory_space<hbm>>
    tpu.enqueue_indirect_dma source(%dma_start3A_9 : memref<4096x768xf32, #tpu.memory_space<hbm>>) target(%dma_start3A_4 : memref<32x768xf32, #tpu.memory_space<vmem>>) offsets(%dma_start3A_6 : memref<32xi32, #tpu.memory_space<vmem>>) semaphore(%arg7 : memref<!tpu.dma_semaphore, #tpu.memory_space<semaphore_mem>>)
    %dma_start3A_10 = arith.constant 32 : i32
    %dma_start3A_11 = arith.constant 0 : i32
    %dma_start3A_12 = tpu.memref_slice %arg6[%dma_start3A_10, %dma_start3A_11] : memref<64x768xf32, #tpu.memory_space<vmem>> -> memref<32x768xf32, #tpu.memory_space<vmem>>
    %dma_start3A_13 = arith.constant 32 : i32
    %dma_start3A_14 = tpu.memref_slice %arg5[%dma_start3A_13] : memref<64xi32, #tpu.memory_space<vmem>> -> memref<32xi32, #tpu.memory_space<vmem>>
    %dma_start3A_15 = arith.constant 0 : i32
    %dma_start3A_16 = arith.constant 0 : i32
    %dma_start3A_17 = tpu.memref_slice %arg2[%dma_start3A_15, %dma_start3A_16] : memref<4096x768xf32, #tpu.memory_space<hbm>> -> memref<4096x768xf32, #tpu.memory_space<hbm>>
    tpu.enqueue_indirect_dma source(%dma_start3A_17 : memref<4096x768xf32, #tpu.memory_space<hbm>>) target(%dma_start3A_12 : memref<32x768xf32, #tpu.memory_space<vmem>>) offsets(%dma_start3A_14 : memref<32xi32, #tpu.memory_space<vmem>>) semaphore(%arg8 : memref<!tpu.dma_semaphore, #tpu.memory_space<semaphore_mem>>)
    %dma_wait3A = arith.constant 0 : i32
    %dma_wait3A_18 = arith.constant 0 : i32
    %dma_wait3A_19 = tpu.memref_slice %arg6[%dma_wait3A, %dma_wait3A_18] : memref<64x768xf32, #tpu.memory_space<vmem>> -> memref<32x768xf32, #tpu.memory_space<vmem>>
    %dma_wait3A_20 = arith.constant 0 : i32
    %dma_wait3A_21 = tpu.memref_slice %arg5[%dma_wait3A_20] : memref<64xi32, #tpu.memory_space<vmem>> -> memref<32xi32, #tpu.memory_space<vmem>>
    %dma_wait3A_22 = arith.constant 0 : i32
    %dma_wait3A_23 = arith.constant 0 : i32
    %dma_wait3A_24 = tpu.memref_slice %arg2[%dma_wait3A_22, %dma_wait3A_23] : memref<4096x768xf32, #tpu.memory_space<hbm>> -> memref<4096x768xf32, #tpu.memory_space<hbm>>
    tpu.wait_indirect_dma semaphore(%arg7 : memref<!tpu.dma_semaphore, #tpu.memory_space<semaphore_mem>>) src(%dma_wait3A_24 : memref<4096x768xf32, #tpu.memory_space<hbm>>) dst(%dma_wait3A_19 : memref<32x768xf32, #tpu.memory_space<vmem>>)
    %dma_start3A_25 = arith.constant 0 : i32
    %dma_start3A_26 = arith.constant 0 : i32
    %dma_start3A_27 = tpu.memref_slice %arg6[%dma_start3A_25, %dma_start3A_26] : memref<64x768xf32, #tpu.memory_space<vmem>> -> memref<32x768xf32, #tpu.memory_space<vmem>>
    %dma_start3A_28 = arith.constant 0 : i32
    %dma_start3A_29 = tpu.memref_slice %arg4[%mul3A_2, %dma_start3A_28] : memref<2048x768xf32, #tpu.memory_space<hbm>> -> memref<32x768xf32, #tpu.memory_space<hbm>>
    %dma_start3A_30 = arith.constant 0 : i32
    %dma_start3A_31 = tpu.memref_slice %arg4[%mul3A_2, %dma_start3A_30] : memref<2048x768xf32, #tpu.memory_space<hbm>> -> memref<32x768xf32, #tpu.memory_space<hbm>>
    %dma_start3A_32 = arith.constant 0 : i32
    %dma_start3A_33 = arith.constant 0 : i32
    %dma_start3A_34 = tpu.memref_slice %arg6[%dma_start3A_32, %dma_start3A_33] : memref<64x768xf32, #tpu.memory_space<vmem>> -> memref<32x768xf32, #tpu.memory_space<vmem>>
    tpu.enqueue_dma source(%dma_start3A_34 : memref<32x768xf32, #tpu.memory_space<vmem>>) target(%dma_start3A_31 : memref<32x768xf32, #tpu.memory_space<hbm>>) target_semaphore(%arg7 : memref<!tpu.dma_semaphore, #tpu.memory_space<semaphore_mem>>)
    %dma_wait3A_35 = arith.constant 32 : i32
    %dma_wait3A_36 = arith.constant 0 : i32
    %dma_wait3A_37 = tpu.memref_slice %arg6[%dma_wait3A_35, %dma_wait3A_36] : memref<64x768xf32, #tpu.memory_space<vmem>> -> memref<32x768xf32, #tpu.memory_space<vmem>>
    %dma_wait3A_38 = arith.constant 32 : i32
    %dma_wait3A_39 = tpu.memref_slice %arg5[%dma_wait3A_38] : memref<64xi32, #tpu.memory_space<vmem>> -> memref<32xi32, #tpu.memory_space<vmem>>
    %dma_wait3A_40 = arith.constant 0 : i32
    %dma_wait3A_41 = arith.constant 0 : i32
    %dma_wait3A_42 = tpu.memref_slice %arg2[%dma_wait3A_40, %dma_wait3A_41] : memref<4096x768xf32, #tpu.memory_space<hbm>> -> memref<4096x768xf32, #tpu.memory_space<hbm>>
    tpu.wait_indirect_dma semaphore(%arg8 : memref<!tpu.dma_semaphore, #tpu.memory_space<semaphore_mem>>) src(%dma_wait3A_42 : memref<4096x768xf32, #tpu.memory_space<hbm>>) dst(%dma_wait3A_37 : memref<32x768xf32, #tpu.memory_space<vmem>>)
    %add3A_43 = arith.constant 32 : i32
    %add3A_44 = arith.addi %mul3A_2, %add3A_43 : i32
    %dma_start3A_45 = arith.constant 32 : i32
    %dma_start3A_46 = arith.constant 0 : i32
    %dma_start3A_47 = tpu.memref_slice %arg6[%dma_start3A_45, %dma_start3A_46] : memref<64x768xf32, #tpu.memory_space<vmem>> -> memref<32x768xf32, #tpu.memory_space<vmem>>
    %dma_start3A_48 = arith.constant 0 : i32
    %dma_start3A_49 = tpu.memref_slice %arg4[%add3A_44, %dma_start3A_48] : memref<2048x768xf32, #tpu.memory_space<hbm>> -> memref<32x768xf32, #tpu.memory_space<hbm>>
    %dma_start3A_50 = arith.constant 0 : i32
    %dma_start3A_51 = tpu.memref_slice %arg4[%add3A_44, %dma_start3A_50] : memref<2048x768xf32, #tpu.memory_space<hbm>> -> memref<32x768xf32, #tpu.memory_space<hbm>>
    %dma_start3A_52 = arith.constant 32 : i32
    %dma_start3A_53 = arith.constant 0 : i32
    %dma_start3A_54 = tpu.memref_slice %arg6[%dma_start3A_52, %dma_start3A_53] : memref<64x768xf32, #tpu.memory_space<vmem>> -> memref<32x768xf32, #tpu.memory_space<vmem>>
    tpu.enqueue_dma source(%dma_start3A_54 : memref<32x768xf32, #tpu.memory_space<vmem>>) target(%dma_start3A_51 : memref<32x768xf32, #tpu.memory_space<hbm>>) target_semaphore(%arg8 : memref<!tpu.dma_semaphore, #tpu.memory_space<semaphore_mem>>)
    %dma_wait3A_55 = arith.constant 0 : i32
    %dma_wait3A_56 = arith.constant 0 : i32
    %dma_wait3A_57 = tpu.memref_slice %arg6[%dma_wait3A_55, %dma_wait3A_56] : memref<64x768xf32, #tpu.memory_space<vmem>> -> memref<32x768xf32, #tpu.memory_space<vmem>>
    %dma_wait3A_58 = arith.constant 0 : i32
    %dma_wait3A_59 = tpu.memref_slice %arg4[%mul3A_2, %dma_wait3A_58] : memref<2048x768xf32, #tpu.memory_space<hbm>> -> memref<32x768xf32, #tpu.memory_space<hbm>>
    %dma_wait3A_60 = arith.constant 0 : i32
    %dma_wait3A_61 = tpu.memref_slice %arg4[%mul3A_2, %dma_wait3A_60] : memref<2048x768xf32, #tpu.memory_space<hbm>> -> memref<32x768xf32, #tpu.memory_space<hbm>>
    %dma_wait3A_62 = arith.constant 0 : i32
    %dma_wait3A_63 = arith.constant 0 : i32
    %dma_wait3A_64 = tpu.memref_slice %arg6[%dma_wait3A_62, %dma_wait3A_63] : memref<64x768xf32, #tpu.memory_space<vmem>> -> memref<32x768xf32, #tpu.memory_space<vmem>>
    tpu.wait_dma2 semaphore(%arg7 : memref<!tpu.dma_semaphore, #tpu.memory_space<semaphore_mem>>) src(%dma_wait3A_64 : memref<32x768xf32, #tpu.memory_space<vmem>>) dst(%dma_wait3A_61 : memref<32x768xf32, #tpu.memory_space<hbm>>)
    %dma_wait3A_65 = arith.constant 32 : i32
    %dma_wait3A_66 = arith.constant 0 : i32
    %dma_wait3A_67 = tpu.memref_slice %arg6[%dma_wait3A_65, %dma_wait3A_66] : memref<64x768xf32, #tpu.memory_space<vmem>> -> memref<32x768xf32, #tpu.memory_space<vmem>>
    %dma_wait3A_68 = arith.constant 0 : i32
    %dma_wait3A_69 = tpu.memref_slice %arg4[%add3A_44, %dma_wait3A_68] : memref<2048x768xf32, #tpu.memory_space<hbm>> -> memref<32x768xf32, #tpu.memory_space<hbm>>
    %dma_wait3A_70 = arith.constant 0 : i32
    %dma_wait3A_71 = tpu.memref_slice %arg4[%add3A_44, %dma_wait3A_70] : memref<2048x768xf32, #tpu.memory_space<hbm>> -> memref<32x768xf32, #tpu.memory_space<hbm>>
    %dma_wait3A_72 = arith.constant 32 : i32
    %dma_wait3A_73 = arith.constant 0 : i32
    %dma_wait3A_74 = tpu.memref_slice %arg6[%dma_wait3A_72, %dma_wait3A_73] : memref<64x768xf32, #tpu.memory_space<vmem>> -> memref<32x768xf32, #tpu.memory_space<vmem>>
    tpu.wait_dma2 semaphore(%arg8 : memref<!tpu.dma_semaphore, #tpu.memory_space<semaphore_mem>>) src(%dma_wait3A_74 : memref<32x768xf32, #tpu.memory_space<vmem>>) dst(%dma_wait3A_71 : memref<32x768xf32, #tpu.memory_space<hbm>>)
    return
  }
}

#map = affine_map<(d0, d1) -> (0, 0)>
#map1 = affine_map<(d0, d1) -> (0)>
module attributes {stable_mosaic.version = 14 : i64} {
  func.func @_sc_scatter_body(%arg0: i32, %arg1: i32, %arg2: memref<2048x768xf32, #tpu.memory_space<hbm>>, %arg3: memref<2048xi32, #tpu.memory_space<hbm>>, %arg4: memref<4096x768xf32, #tpu.memory_space<hbm>>, %arg5: memref<64xi32, #tpu.memory_space<vmem>>, %arg6: memref<64x768xf32, #tpu.memory_space<vmem>>, %arg7: memref<!tpu.dma_semaphore, #tpu.memory_space<semaphore_mem>>, %arg8: memref<!tpu.dma_semaphore, #tpu.memory_space<semaphore_mem>>) attributes {dimension_semantics = [#tpu.dimension_semantics<core_parallel>, #tpu.dimension_semantics<subcore_parallel>], iteration_bounds = array<i64: 2, 16>, scalar_prefetch = 0 : i64, scratch_operands = 4 : i64, tpu.core_type = #tpu.core_type<sc_vector_subcore>, window_params = [{transform_indices = #map}, {transform_indices = #map1}, {transform_indices = #map}]} {
    %mul3A = arith.constant 2 : i32
    %mul3A_0 = arith.muli %arg1, %mul3A : i32
    %add3A = arith.addi %mul3A_0, %arg0 : i32
    %mul3A_1 = arith.constant 64 : i32
    %mul3A_2 = arith.muli %add3A, %mul3A_1 : i32
    "tpu.region"() ({
      %run_scoped3A = tpu.sem_alloc : memref<!tpu.dma_semaphore, #tpu.memory_space<semaphore_mem>>
      %dma_start3A_75 = tpu.memref_slice %arg3[%mul3A_2] : memref<2048xi32, #tpu.memory_space<hbm>> -> memref<64xi32, #tpu.memory_space<hbm>>
      %dma_start3A_76 = tpu.memref_slice %arg3[%mul3A_2] : memref<2048xi32, #tpu.memory_space<hbm>> -> memref<64xi32, #tpu.memory_space<hbm>>
      tpu.enqueue_dma source(%dma_start3A_76 : memref<64xi32, #tpu.memory_space<hbm>>) target(%arg5 : memref<64xi32, #tpu.memory_space<vmem>>) target_semaphore(%run_scoped3A : memref<!tpu.dma_semaphore, #tpu.memory_space<semaphore_mem>>)
      %dma_wait3A_77 = tpu.memref_slice %arg3[%mul3A_2] : memref<2048xi32, #tpu.memory_space<hbm>> -> memref<64xi32, #tpu.memory_space<hbm>>
      %dma_wait3A_78 = tpu.memref_slice %arg3[%mul3A_2] : memref<2048xi32, #tpu.memory_space<hbm>> -> memref<64xi32, #tpu.memory_space<hbm>>
      tpu.wait_dma2 semaphore(%run_scoped3A : memref<!tpu.dma_semaphore, #tpu.memory_space<semaphore_mem>>) src(%dma_wait3A_78 : memref<64xi32, #tpu.memory_space<hbm>>) dst(%arg5 : memref<64xi32, #tpu.memory_space<vmem>>)
      tpu.yield
    }) : () -> ()
    %dma_start3A = arith.constant 0 : i32
    %dma_start3A_3 = arith.constant 0 : i32
    %dma_start3A_4 = tpu.memref_slice %arg6[%dma_start3A, %dma_start3A_3] : memref<64x768xf32, #tpu.memory_space<vmem>> -> memref<32x768xf32, #tpu.memory_space<vmem>>
    %dma_start3A_5 = arith.constant 0 : i32
    %dma_start3A_6 = tpu.memref_slice %arg2[%mul3A_2, %dma_start3A_5] : memref<2048x768xf32, #tpu.memory_space<hbm>> -> memref<32x768xf32, #tpu.memory_space<hbm>>
    %dma_start3A_7 = arith.constant 0 : i32
    %dma_start3A_8 = arith.constant 0 : i32
    %dma_start3A_9 = tpu.memref_slice %arg6[%dma_start3A_7, %dma_start3A_8] : memref<64x768xf32, #tpu.memory_space<vmem>> -> memref<32x768xf32, #tpu.memory_space<vmem>>
    %dma_start3A_10 = arith.constant 0 : i32
    %dma_start3A_11 = tpu.memref_slice %arg2[%mul3A_2, %dma_start3A_10] : memref<2048x768xf32, #tpu.memory_space<hbm>> -> memref<32x768xf32, #tpu.memory_space<hbm>>
    tpu.enqueue_dma source(%dma_start3A_11 : memref<32x768xf32, #tpu.memory_space<hbm>>) target(%dma_start3A_9 : memref<32x768xf32, #tpu.memory_space<vmem>>) target_semaphore(%arg7 : memref<!tpu.dma_semaphore, #tpu.memory_space<semaphore_mem>>)
    %add3A_12 = arith.constant 32 : i32
    %add3A_13 = arith.addi %mul3A_2, %add3A_12 : i32
    %dma_start3A_14 = arith.constant 32 : i32
    %dma_start3A_15 = arith.constant 0 : i32
    %dma_start3A_16 = tpu.memref_slice %arg6[%dma_start3A_14, %dma_start3A_15] : memref<64x768xf32, #tpu.memory_space<vmem>> -> memref<32x768xf32, #tpu.memory_space<vmem>>
    %dma_start3A_17 = arith.constant 0 : i32
    %dma_start3A_18 = tpu.memref_slice %arg2[%add3A_13, %dma_start3A_17] : memref<2048x768xf32, #tpu.memory_space<hbm>> -> memref<32x768xf32, #tpu.memory_space<hbm>>
    %dma_start3A_19 = arith.constant 32 : i32
    %dma_start3A_20 = arith.constant 0 : i32
    %dma_start3A_21 = tpu.memref_slice %arg6[%dma_start3A_19, %dma_start3A_20] : memref<64x768xf32, #tpu.memory_space<vmem>> -> memref<32x768xf32, #tpu.memory_space<vmem>>
    %dma_start3A_22 = arith.constant 0 : i32
    %dma_start3A_23 = tpu.memref_slice %arg2[%add3A_13, %dma_start3A_22] : memref<2048x768xf32, #tpu.memory_space<hbm>> -> memref<32x768xf32, #tpu.memory_space<hbm>>
    tpu.enqueue_dma source(%dma_start3A_23 : memref<32x768xf32, #tpu.memory_space<hbm>>) target(%dma_start3A_21 : memref<32x768xf32, #tpu.memory_space<vmem>>) target_semaphore(%arg8 : memref<!tpu.dma_semaphore, #tpu.memory_space<semaphore_mem>>)
    %dma_wait3A = arith.constant 0 : i32
    %dma_wait3A_24 = arith.constant 0 : i32
    %dma_wait3A_25 = tpu.memref_slice %arg6[%dma_wait3A, %dma_wait3A_24] : memref<64x768xf32, #tpu.memory_space<vmem>> -> memref<32x768xf32, #tpu.memory_space<vmem>>
    %dma_wait3A_26 = arith.constant 0 : i32
    %dma_wait3A_27 = tpu.memref_slice %arg2[%mul3A_2, %dma_wait3A_26] : memref<2048x768xf32, #tpu.memory_space<hbm>> -> memref<32x768xf32, #tpu.memory_space<hbm>>
    %dma_wait3A_28 = arith.constant 0 : i32
    %dma_wait3A_29 = arith.constant 0 : i32
    %dma_wait3A_30 = tpu.memref_slice %arg6[%dma_wait3A_28, %dma_wait3A_29] : memref<64x768xf32, #tpu.memory_space<vmem>> -> memref<32x768xf32, #tpu.memory_space<vmem>>
    %dma_wait3A_31 = arith.constant 0 : i32
    %dma_wait3A_32 = tpu.memref_slice %arg2[%mul3A_2, %dma_wait3A_31] : memref<2048x768xf32, #tpu.memory_space<hbm>> -> memref<32x768xf32, #tpu.memory_space<hbm>>
    tpu.wait_dma2 semaphore(%arg7 : memref<!tpu.dma_semaphore, #tpu.memory_space<semaphore_mem>>) src(%dma_wait3A_32 : memref<32x768xf32, #tpu.memory_space<hbm>>) dst(%dma_wait3A_30 : memref<32x768xf32, #tpu.memory_space<vmem>>)
    %dma_start3A_33 = arith.constant 0 : i32
    %dma_start3A_34 = arith.constant 0 : i32
    %dma_start3A_35 = tpu.memref_slice %arg6[%dma_start3A_33, %dma_start3A_34] : memref<64x768xf32, #tpu.memory_space<vmem>> -> memref<32x768xf32, #tpu.memory_space<vmem>>
    %dma_start3A_36 = arith.constant 0 : i32
    %dma_start3A_37 = tpu.memref_slice %arg5[%dma_start3A_36] : memref<64xi32, #tpu.memory_space<vmem>> -> memref<32xi32, #tpu.memory_space<vmem>>
    %dma_start3A_38 = arith.constant 0 : i32
    %dma_start3A_39 = arith.constant 0 : i32
    %dma_start3A_40 = tpu.memref_slice %arg4[%dma_start3A_38, %dma_start3A_39] : memref<4096x768xf32, #tpu.memory_space<hbm>> -> memref<4096x768xf32, #tpu.memory_space<hbm>>
    tpu.enqueue_indirect_dma source(%dma_start3A_35 : memref<32x768xf32, #tpu.memory_space<vmem>>) target(%dma_start3A_40 : memref<4096x768xf32, #tpu.memory_space<hbm>>) offsets(%dma_start3A_37 : memref<32xi32, #tpu.memory_space<vmem>>) semaphore(%arg7 : memref<!tpu.dma_semaphore, #tpu.memory_space<semaphore_mem>>)
    %dma_wait3A_41 = arith.constant 32 : i32
    %dma_wait3A_42 = arith.constant 0 : i32
    %dma_wait3A_43 = tpu.memref_slice %arg6[%dma_wait3A_41, %dma_wait3A_42] : memref<64x768xf32, #tpu.memory_space<vmem>> -> memref<32x768xf32, #tpu.memory_space<vmem>>
    %dma_wait3A_44 = arith.constant 0 : i32
    %dma_wait3A_45 = tpu.memref_slice %arg2[%add3A_13, %dma_wait3A_44] : memref<2048x768xf32, #tpu.memory_space<hbm>> -> memref<32x768xf32, #tpu.memory_space<hbm>>
    %dma_wait3A_46 = arith.constant 32 : i32
    %dma_wait3A_47 = arith.constant 0 : i32
    %dma_wait3A_48 = tpu.memref_slice %arg6[%dma_wait3A_46, %dma_wait3A_47] : memref<64x768xf32, #tpu.memory_space<vmem>> -> memref<32x768xf32, #tpu.memory_space<vmem>>
    %dma_wait3A_49 = arith.constant 0 : i32
    %dma_wait3A_50 = tpu.memref_slice %arg2[%add3A_13, %dma_wait3A_49] : memref<2048x768xf32, #tpu.memory_space<hbm>> -> memref<32x768xf32, #tpu.memory_space<hbm>>
    tpu.wait_dma2 semaphore(%arg8 : memref<!tpu.dma_semaphore, #tpu.memory_space<semaphore_mem>>) src(%dma_wait3A_50 : memref<32x768xf32, #tpu.memory_space<hbm>>) dst(%dma_wait3A_48 : memref<32x768xf32, #tpu.memory_space<vmem>>)
    %dma_start3A_51 = arith.constant 32 : i32
    %dma_start3A_52 = arith.constant 0 : i32
    %dma_start3A_53 = tpu.memref_slice %arg6[%dma_start3A_51, %dma_start3A_52] : memref<64x768xf32, #tpu.memory_space<vmem>> -> memref<32x768xf32, #tpu.memory_space<vmem>>
    %dma_start3A_54 = arith.constant 32 : i32
    %dma_start3A_55 = tpu.memref_slice %arg5[%dma_start3A_54] : memref<64xi32, #tpu.memory_space<vmem>> -> memref<32xi32, #tpu.memory_space<vmem>>
    %dma_start3A_56 = arith.constant 0 : i32
    %dma_start3A_57 = arith.constant 0 : i32
    %dma_start3A_58 = tpu.memref_slice %arg4[%dma_start3A_56, %dma_start3A_57] : memref<4096x768xf32, #tpu.memory_space<hbm>> -> memref<4096x768xf32, #tpu.memory_space<hbm>>
    tpu.enqueue_indirect_dma source(%dma_start3A_53 : memref<32x768xf32, #tpu.memory_space<vmem>>) target(%dma_start3A_58 : memref<4096x768xf32, #tpu.memory_space<hbm>>) offsets(%dma_start3A_55 : memref<32xi32, #tpu.memory_space<vmem>>) semaphore(%arg8 : memref<!tpu.dma_semaphore, #tpu.memory_space<semaphore_mem>>)
    %dma_wait3A_59 = arith.constant 0 : i32
    %dma_wait3A_60 = arith.constant 0 : i32
    %dma_wait3A_61 = tpu.memref_slice %arg6[%dma_wait3A_59, %dma_wait3A_60] : memref<64x768xf32, #tpu.memory_space<vmem>> -> memref<32x768xf32, #tpu.memory_space<vmem>>
    %dma_wait3A_62 = arith.constant 0 : i32
    %dma_wait3A_63 = tpu.memref_slice %arg5[%dma_wait3A_62] : memref<64xi32, #tpu.memory_space<vmem>> -> memref<32xi32, #tpu.memory_space<vmem>>
    %dma_wait3A_64 = arith.constant 0 : i32
    %dma_wait3A_65 = arith.constant 0 : i32
    %dma_wait3A_66 = tpu.memref_slice %arg4[%dma_wait3A_64, %dma_wait3A_65] : memref<4096x768xf32, #tpu.memory_space<hbm>> -> memref<4096x768xf32, #tpu.memory_space<hbm>>
    tpu.wait_indirect_dma semaphore(%arg7 : memref<!tpu.dma_semaphore, #tpu.memory_space<semaphore_mem>>) src(%dma_wait3A_61 : memref<32x768xf32, #tpu.memory_space<vmem>>) dst(%dma_wait3A_66 : memref<4096x768xf32, #tpu.memory_space<hbm>>)
    %dma_wait3A_67 = arith.constant 32 : i32
    %dma_wait3A_68 = arith.constant 0 : i32
    %dma_wait3A_69 = tpu.memref_slice %arg6[%dma_wait3A_67, %dma_wait3A_68] : memref<64x768xf32, #tpu.memory_space<vmem>> -> memref<32x768xf32, #tpu.memory_space<vmem>>
    %dma_wait3A_70 = arith.constant 32 : i32
    %dma_wait3A_71 = tpu.memref_slice %arg5[%dma_wait3A_70] : memref<64xi32, #tpu.memory_space<vmem>> -> memref<32xi32, #tpu.memory_space<vmem>>
    %dma_wait3A_72 = arith.constant 0 : i32
    %dma_wait3A_73 = arith.constant 0 : i32
    %dma_wait3A_74 = tpu.memref_slice %arg4[%dma_wait3A_72, %dma_wait3A_73] : memref<4096x768xf32, #tpu.memory_space<hbm>> -> memref<4096x768xf32, #tpu.memory_space<hbm>>
    tpu.wait_indirect_dma semaphore(%arg8 : memref<!tpu.dma_semaphore, #tpu.memory_space<semaphore_mem>>) src(%dma_wait3A_69 : memref<32x768xf32, #tpu.memory_space<vmem>>) dst(%dma_wait3A_74 : memref<4096x768xf32, #tpu.memory_space<hbm>>)
    return
  }
}

module attributes {stable_mosaic.version = 14 : i64} {
  func.func @_ffn_body(%arg0: i32, %arg1: memref<16x1xi32, #tpu.memory_space<smem>>, %arg2: memref<16x1xi32, #tpu.memory_space<smem>>, %arg3: memref<256x768xf32, #tpu.memory_space<vmem>>, %arg4: memref<1x768x1024xf32, #tpu.memory_space<vmem>>, %arg5: memref<8x1024xf32, #tpu.memory_space<vmem>>, %arg6: memref<1x1024x768xf32, #tpu.memory_space<vmem>>, %arg7: memref<8x768xf32, #tpu.memory_space<vmem>>, %arg8: memref<256x768xf32, #tpu.memory_space<vmem>>) attributes {dimension_semantics = [#tpu.dimension_semantics<arbitrary>], iteration_bounds = array<i64: 16>, scalar_prefetch = 2 : i64, scratch_operands = 0 : i64, tpu.core_type = #tpu.core_type<tc>, window_params = [{transform_indices = @transform_0, window_bounds = array<i64: 256, 768>}, {transform_indices = @transform_1, window_bounds = array<i64: 1, 768, 1024>}, {pipeline_mode = #tpu.pipeline_mode<synchronous>, transform_indices = @transform_2, window_bounds = array<i64: 8, 1024>}, {transform_indices = @transform_3, window_bounds = array<i64: 1, 1024, 768>}, {pipeline_mode = #tpu.pipeline_mode<synchronous>, transform_indices = @transform_4, window_bounds = array<i64: 8, 768>}, {transform_indices = @transform_5, window_bounds = array<i64: 256, 768>}]} {
    %get3A = arith.index_cast %arg0 : i32 to index
    %get3A_0 = arith.constant 0 : index
    %get3A_1 = memref.load %arg2[%get3A, %get3A_0] : memref<16x1xi32, #tpu.memory_space<smem>>
    %gt3A = arith.constant 0 : i32
    %gt3A_2 = arith.cmpi sgt, %get3A_1, %gt3A : i32
    %convert_element_type3A = arith.extui %gt3A_2 : i1 to i32
    %cond3A = arith.constant 0 : i32
    %cond3A_3 = arith.cmpi ne, %convert_element_type3A, %cond3A : i32
    scf.if %cond3A_3 {
      %get3A_4 = arith.index_cast %arg0 : i32 to index
      %get3A_5 = arith.constant 0 : index
      %get3A_6 = memref.load %arg1[%get3A_4, %get3A_5] : memref<16x1xi32, #tpu.memory_space<smem>>
      %get3A_7 = arith.constant 0 : index
      %get3A_8 = arith.constant 0 : index
      %get3A_9 = vector.load %arg3[%get3A_7, %get3A_8] : memref<256x768xf32, #tpu.memory_space<vmem>>, vector<256x768xf32>
      %get3A_10 = arith.constant 0 : index
      %get3A_11 = arith.constant 0 : index
      %get3A_12 = arith.constant 0 : index
      %get3A_13 = vector.load %arg4[%get3A_10, %get3A_11, %get3A_12] : memref<1x768x1024xf32, #tpu.memory_space<vmem>>, vector<1x768x1024xf32>
      %get3A_14 = vector.shape_cast %get3A_13 : vector<1x768x1024xf32> to vector<768x1024xf32>
      %dot_general3A = arith.constant dense<0.000000e+00> : vector<256x1024xf32>
      %dot_general3A_15 = tpu.matmul %get3A_9, %get3A_14, %dot_general3A {dimension_numbers = #tpu.dot_dimension_numbers<[1], [0], [0], [1], [0, 0, 1, 1], [], []>, transpose_lhs_hint = false} : vector<256x768xf32>, vector<768x1024xf32>, vector<256x1024xf32> -> vector<256x1024xf32>
      %get3A_16 = arith.index_cast %get3A_6 : i32 to index
      %get3A_17 = arith.constant 0 : index
      %get3A_18 = vector.load %arg5[%get3A_16, %get3A_17] : memref<8x1024xf32, #tpu.memory_space<vmem>>, vector<1x1024xf32>
      %add3A = vector.broadcast %get3A_18 : vector<1x1024xf32> to vector<256x1024xf32>
      %add3A_19 = arith.addf %dot_general3A_15, %add3A : vector<256x1024xf32>
      %mul3A = arith.constant 5.000000e-01 : f32
      %mul3A_20 = vector.broadcast %mul3A : f32 to vector<256x1024xf32>
      %mul3A_21 = arith.mulf %mul3A_20, %add3A_19 : vector<256x1024xf32>
      %mul3A_22 = arith.constant 0.707106769 : f32
      %mul3A_23 = vector.broadcast %mul3A_22 : f32 to vector<256x1024xf32>
      %mul3A_24 = arith.mulf %add3A_19, %mul3A_23 : vector<256x1024xf32>
      %erf3A = math.erf %mul3A_24 : vector<256x1024xf32>
      %add3A_25 = arith.constant 1.000000e+00 : f32
      %add3A_26 = vector.broadcast %add3A_25 : f32 to vector<256x1024xf32>
      %add3A_27 = arith.addf %add3A_26, %erf3A : vector<256x1024xf32>
      %mul3A_28 = arith.mulf %mul3A_21, %add3A_27 : vector<256x1024xf32>
      %get3A_29 = arith.constant 0 : index
      %get3A_30 = arith.constant 0 : index
      %get3A_31 = arith.constant 0 : index
      %get3A_32 = vector.load %arg6[%get3A_29, %get3A_30, %get3A_31] : memref<1x1024x768xf32, #tpu.memory_space<vmem>>, vector<1x1024x768xf32>
      %get3A_33 = vector.shape_cast %get3A_32 : vector<1x1024x768xf32> to vector<1024x768xf32>
      %dot_general3A_34 = arith.constant dense<0.000000e+00> : vector<256x768xf32>
      %dot_general3A_35 = tpu.matmul %mul3A_28, %get3A_33, %dot_general3A_34 {dimension_numbers = #tpu.dot_dimension_numbers<[1], [0], [0], [1], [0, 0, 1, 1], [], []>, transpose_lhs_hint = false} : vector<256x1024xf32>, vector<1024x768xf32>, vector<256x768xf32> -> vector<256x768xf32>
      %get3A_36 = arith.index_cast %get3A_6 : i32 to index
      %get3A_37 = arith.constant 0 : index
      %get3A_38 = vector.load %arg7[%get3A_36, %get3A_37] : memref<8x768xf32, #tpu.memory_space<vmem>>, vector<1x768xf32>
      %add3A_39 = vector.broadcast %get3A_38 : vector<1x768xf32> to vector<256x768xf32>
      %add3A_40 = arith.addf %dot_general3A_35, %add3A_39 : vector<256x768xf32>
      %swap3A = arith.constant 0 : index
      %swap3A_41 = arith.constant 0 : index
      %swap3A_42 = vector.load %arg8[%swap3A, %swap3A_41] : memref<256x768xf32, #tpu.memory_space<vmem>>, vector<256x768xf32>
      tpu.vector_store %arg8[%swap3A, %swap3A_41], %add3A_40 {strides = array<i32>} : memref<256x768xf32, #tpu.memory_space<vmem>>, vector<256x768xf32>,
    } else {
    }
    return
  }
  func.func @transform_0(%arg0: i32, %arg1: memref<16x1xi32, #tpu.memory_space<smem>>, %arg2: memref<16x1xi32, #tpu.memory_space<smem>>) -> (i32, i32) {
    %get3A = arith.index_cast %arg0 : i32 to index
    %get3A_0 = arith.constant 0 : index
    %get3A_1 = memref.load %arg2[%get3A, %get3A_0] : memref<16x1xi32, #tpu.memory_space<smem>>
    %mul3A = arith.muli %arg0, %get3A_1 : i32
    %c0_i32 = arith.constant 0 : i32
    %c0_i32_2 = arith.constant 0 : i32
    return %mul3A, %c0_i32 : i32, i32
  }
  func.func @transform_1(%arg0: i32, %arg1: memref<16x1xi32, #tpu.memory_space<smem>>, %arg2: memref<16x1xi32, #tpu.memory_space<smem>>) -> (i32, i32, i32) {
    %get3A = arith.index_cast %arg0 : i32 to index
    %get3A_0 = arith.constant 0 : index
    %get3A_1 = memref.load %arg1[%get3A, %get3A_0] : memref<16x1xi32, #tpu.memory_space<smem>>
    %c0_i32 = arith.constant 0 : i32
    %c0_i32_2 = arith.constant 0 : i32
    %c0_i32_3 = arith.constant 0 : i32
    return %get3A_1, %c0_i32, %c0_i32_2 : i32, i32, i32
  }
  func.func @transform_2(%arg0: i32, %arg1: memref<16x1xi32, #tpu.memory_space<smem>>, %arg2: memref<16x1xi32, #tpu.memory_space<smem>>) -> (i32, i32) {
    %c0_i32 = arith.constant 0 : i32
    %c0_i32_0 = arith.constant 0 : i32
    %c0_i32_1 = arith.constant 0 : i32
    return %c0_i32, %c0_i32_0 : i32, i32
  }
  func.func @transform_3(%arg0: i32, %arg1: memref<16x1xi32, #tpu.memory_space<smem>>, %arg2: memref<16x1xi32, #tpu.memory_space<smem>>) -> (i32, i32, i32) {
    %get3A = arith.index_cast %arg0 : i32 to index
    %get3A_0 = arith.constant 0 : index
    %get3A_1 = memref.load %arg1[%get3A, %get3A_0] : memref<16x1xi32, #tpu.memory_space<smem>>
    %c0_i32 = arith.constant 0 : i32
    %c0_i32_2 = arith.constant 0 : i32
    %c0_i32_3 = arith.constant 0 : i32
    return %get3A_1, %c0_i32, %c0_i32_2 : i32, i32, i32
  }
  func.func @transform_4(%arg0: i32, %arg1: memref<16x1xi32, #tpu.memory_space<smem>>, %arg2: memref<16x1xi32, #tpu.memory_space<smem>>) -> (i32, i32) {
    %c0_i32 = arith.constant 0 : i32
    %c0_i32_0 = arith.constant 0 : i32
    %c0_i32_1 = arith.constant 0 : i32
    return %c0_i32, %c0_i32_0 : i32, i32
  }
  func.func @transform_5(%arg0: i32, %arg1: memref<16x1xi32, #tpu.memory_space<smem>>, %arg2: memref<16x1xi32, #tpu.memory_space<smem>>) -> (i32, i32) {
    %c0_i32 = arith.constant 0 : i32
    %c0_i32_0 = arith.constant 0 : i32
    return %arg0, %c0_i32 : i32, i32
  }
}

module attributes {stable_mosaic.version = 14 : i64} {
  func.func @_router_dispatch_body(%arg0: memref<2048x768xf32, #tpu.memory_space<vmem>>, %arg1: memref<1x16xf32, #tpu.memory_space<vmem>>, %arg2: memref<784x8xf32, #tpu.memory_space<vmem>>, %arg3: memref<1x8xf32, #tpu.memory_space<vmem>>, %arg4: memref<16x128xi32, #tpu.memory_space<vmem>>, %arg5: memref<16x1xi32, #tpu.memory_space<vmem>>, %arg6: memref<16x1xi32, #tpu.memory_space<vmem>>, %arg7: memref<1x1xf32, #tpu.memory_space<vmem>>) attributes {dimension_semantics = [], scalar_prefetch = 0 : i64, scratch_operands = 0 : i64, tpu.core_type = #tpu.core_type<tc>} {
    %get3A = arith.constant 0 : index
    %get3A_0 = arith.constant 0 : index
    %get3A_1 = vector.load %arg1[%get3A, %get3A_0] : memref<1x16xf32, #tpu.memory_space<vmem>>, vector<1x16xf32>
    %broadcast_in_dim3A = vector.shape_cast %get3A_1 : vector<1x16xf32> to vector<1x16xf32>
    %broadcast_in_dim3A_2 = vector.broadcast %broadcast_in_dim3A : vector<1x16xf32> to vector<2048x16xf32>
    %get3A_3 = arith.constant 0 : index
    %get3A_4 = arith.constant 0 : index
    %get3A_5 = vector.load %arg0[%get3A_3, %get3A_4] : memref<2048x768xf32, #tpu.memory_space<vmem>>, vector<2048x768xf32>
    %concatenate3A = tpu.concatenate %get3A_5, %broadcast_in_dim3A_2 in 1 : vector<2048x768xf32>, vector<2048x16xf32> -> vector<2048x784xf32>
    %get3A_6 = arith.constant 0 : index
    %get3A_7 = arith.constant 0 : index
    %get3A_8 = vector.load %arg2[%get3A_6, %get3A_7] : memref<784x8xf32, #tpu.memory_space<vmem>>, vector<784x8xf32>
    %dot_general3A = arith.constant dense<0.000000e+00> : vector<2048x8xf32>
    %dot_general3A_9 = tpu.matmul %concatenate3A, %get3A_8, %dot_general3A {dimension_numbers = #tpu.dot_dimension_numbers<[1], [0], [0], [1], [0, 0, 1, 1], [], []>, transpose_lhs_hint = false} : vector<2048x784xf32>, vector<784x8xf32>, vector<2048x8xf32> -> vector<2048x8xf32>
    %get3A_10 = arith.constant 0 : index
    %get3A_11 = arith.constant 0 : index
    %get3A_12 = vector.load %arg3[%get3A_10, %get3A_11] : memref<1x8xf32, #tpu.memory_space<vmem>>, vector<1x8xf32>
    %add3A = vector.broadcast %get3A_12 : vector<1x8xf32> to vector<2048x8xf32>
    %add3A_13 = arith.addf %dot_general3A_9, %add3A : vector<2048x8xf32>
    %reduce_max3A = arith.constant dense<0xFF800000> : vector<2048xf32>
    %reduce_max3A_14 = vector.multi_reduction <maximumf>, %add3A_13, %reduce_max3A [1] : vector<2048x8xf32> to vector<2048xf32>
    %broadcast_in_dim3A_15 = vector.shape_cast %reduce_max3A_14 : vector<2048xf32> to vector<2048x1xf32>
    %sub3A = vector.broadcast %broadcast_in_dim3A_15 : vector<2048x1xf32> to vector<2048x8xf32>
    %sub3A_16 = arith.subf %add3A_13, %sub3A : vector<2048x8xf32>
    %exp3A = math.exp %sub3A_16 : vector<2048x8xf32>
    %reduce_sum3A = arith.constant dense<0.000000e+00> : vector<2048xf32>
    %reduce_sum3A_17 = vector.multi_reduction <add>, %exp3A, %reduce_sum3A [1] : vector<2048x8xf32> to vector<2048xf32>
    %broadcast_in_dim3A_18 = vector.shape_cast %reduce_sum3A_17 : vector<2048xf32> to vector<2048x1xf32>
    %div3A = vector.broadcast %broadcast_in_dim3A_18 : vector<2048x1xf32> to vector<2048x8xf32>
    %div3A_19 = arith.divf %exp3A, %div3A : vector<2048x8xf32>
    %iota3A = tpu.iota {dimensions = array<i32: 1>} : vector<2048x8xi32>
    %eq3A = vector.broadcast %broadcast_in_dim3A_15 : vector<2048x1xf32> to vector<2048x8xf32>
    %eq3A_20 = arith.cmpf oeq, %add3A_13, %eq3A : vector<2048x8xf32>
    %jit3A = arith.constant 8 : i32
    %broadcast_in_dim3A_21 = vector.broadcast %jit3A : i32 to vector<2048x8xi32>
    %select_n3A = arith.select %eq3A_20, %iota3A, %broadcast_in_dim3A_21 : vector<2048x8xi1>, vector<2048x8xi32>
    %reduce_min3A = arith.constant dense<2147483647> : vector<2048xi32>
    %reduce_min3A_22 = vector.multi_reduction <minsi>, %select_n3A, %reduce_min3A [1] : vector<2048x8xi32> to vector<2048xi32>
    %broadcast_in_dim3A_23 = vector.shape_cast %reduce_min3A_22 : vector<2048xi32> to vector<2048x1xi32>
    %eq3A_24 = vector.broadcast %broadcast_in_dim3A_23 : vector<2048x1xi32> to vector<2048x8xi32>
    %eq3A_25 = arith.cmpi eq, %iota3A, %eq3A_24 : vector<2048x8xi32>
    %convert_element_type3A = arith.extui %eq3A_25 : vector<2048x8xi1> to vector<2048x8xi32>
    %convert_element_type3A_26 = arith.sitofp %convert_element_type3A : vector<2048x8xi32> to vector<2048x8xf32>
    %reduce_sum3A_27 = arith.constant dense<0.000000e+00> : vector<8xf32>
    %reduce_sum3A_28 = vector.multi_reduction <add>, %convert_element_type3A_26, %reduce_sum3A_27 [0] : vector<2048x8xf32> to vector<8xf32>
    %broadcast_in_dim3A_29 = vector.shape_cast %reduce_sum3A_28 : vector<8xf32> to vector<1x8xf32>
    %reduce_sum3A_30 = arith.constant dense<0.000000e+00> : vector<8xf32>
    %reduce_sum3A_31 = vector.multi_reduction <add>, %div3A_19, %reduce_sum3A_30 [0] : vector<2048x8xf32> to vector<8xf32>
    %broadcast_in_dim3A_32 = vector.shape_cast %reduce_sum3A_31 : vector<8xf32> to vector<1x8xf32>
    %mul3A = arith.mulf %broadcast_in_dim3A_32, %broadcast_in_dim3A_29 : vector<1x8xf32>
    %reduce_sum3A_33 = vector.shape_cast %mul3A : vector<1x8xf32> to vector<1x1x8xf32>
    %reduce_sum3A_34 = arith.constant dense<0.000000e+00> : vector<1xf32>
    %reduce_sum3A_35 = vector.multi_reduction <add>, %reduce_sum3A_33, %reduce_sum3A_34 [1, 2] : vector<1x1x8xf32> to vector<1xf32>
    %reduce_sum3A_36 = vector.shape_cast %reduce_sum3A_35 : vector<1xf32> to vector<1x1x1xf32>
    %reduce_sum3A_37 = vector.extract %reduce_sum3A_36[0, 0, 0] : f32 from vector<1x1x1xf32>
    %broadcast_in_dim3A_38 = vector.broadcast %reduce_sum3A_37 : f32 to vector<1x1xf32>
    %mul3A_39 = arith.constant 1.90734863E-6 : f32
    %mul3A_40 = vector.broadcast %mul3A_39 : f32 to vector<1x1xf32>
    %mul3A_41 = arith.mulf %mul3A_40, %broadcast_in_dim3A_38 : vector<1x1xf32>
    %swap3A = arith.constant 0 : index
    %swap3A_42 = arith.constant 0 : index
    %swap3A_43 = vector.load %arg7[%swap3A, %swap3A_42] : memref<1x1xf32, #tpu.memory_space<vmem>>, vector<1x1xf32>
    tpu.vector_store %arg7[%swap3A, %swap3A_42], %mul3A_41 {strides = array<i32>} : memref<1x1xf32, #tpu.memory_space<vmem>>, vector<1x1xf32>,
    %convert_element_type3A_44 = arith.fptosi %broadcast_in_dim3A_29 : vector<1x8xf32> to vector<1x8xi32>
    %add3A_45 = arith.constant 255 : i32
    %add3A_46 = vector.broadcast %add3A_45 : i32 to vector<1x8xi32>
    %add3A_47 = arith.addi %convert_element_type3A_44, %add3A_46 : vector<1x8xi32>
    %jit3A_48 = arith.constant 256 : i32
    %div3A_49 = vector.broadcast %jit3A_48 : i32 to vector<1x8xi32>
    %div3A_50 = arith.divsi %add3A_47, %div3A_49 : vector<1x8xi32>
    %sign3A = arith.constant 0 : i32
    %sign3A_51 = vector.broadcast %sign3A : i32 to vector<1x8xi32>
    %sign3A_52 = arith.cmpi sgt, %add3A_47, %sign3A_51 : vector<1x8xi32>
    %sign3A_53 = arith.extui %sign3A_52 : vector<1x8xi1> to vector<1x8xi32>
    %sign3A_54 = arith.constant 0 : i32
    %sign3A_55 = vector.broadcast %sign3A_54 : i32 to vector<1x8xi32>
    %sign3A_56 = arith.cmpi slt, %add3A_47, %sign3A_55 : vector<1x8xi32>
    %sign3A_57 = arith.extui %sign3A_56 : vector<1x8xi1> to vector<1x8xi32>
    %sign3A_58 = arith.subi %sign3A_53, %sign3A_57 : vector<1x8xi32>
    %sign3A_59 = arith.constant 0 : i32
    %sign3A_60 = arith.cmpi sgt, %jit3A_48, %sign3A_59 : i32
    %sign3A_61 = arith.extui %sign3A_60 : i1 to i32
    %sign3A_62 = arith.constant 0 : i32
    %sign3A_63 = arith.cmpi slt, %jit3A_48, %sign3A_62 : i32
    %sign3A_64 = arith.extui %sign3A_63 : i1 to i32
    %sign3A_65 = arith.subi %sign3A_61, %sign3A_64 : i32
    %ne3A = vector.broadcast %sign3A_65 : i32 to vector<1x8xi32>
    %ne3A_66 = arith.cmpi ne, %sign3A_58, %ne3A : vector<1x8xi32>
    %rem3A = vector.broadcast %jit3A_48 : i32 to vector<1x8xi32>
    %rem3A_67 = arith.remsi %add3A_47, %rem3A : vector<1x8xi32>
    %ne3A_68 = arith.constant 0 : i32
    %ne3A_69 = vector.broadcast %ne3A_68 : i32 to vector<1x8xi32>
    %ne3A_70 = arith.cmpi ne, %rem3A_67, %ne3A_69 : vector<1x8xi32>
    %and3A = arith.andi %ne3A_66, %ne3A_70 : vector<1x8xi1>
    %sub3A_71 = arith.constant 1 : i32
    %sub3A_72 = vector.broadcast %sub3A_71 : i32 to vector<1x8xi32>
    %sub3A_73 = arith.subi %div3A_50, %sub3A_72 : vector<1x8xi32>
    %select_n3A_74 = arith.select %and3A, %sub3A_73, %div3A_50 : vector<1x8xi1>, vector<1x8xi32>
    %mul3A_75 = arith.constant 256 : i32
    %mul3A_76 = vector.broadcast %mul3A_75 : i32 to vector<1x8xi32>
    %mul3A_77 = arith.muli %select_n3A_74, %mul3A_76 : vector<1x8xi32>
    %convert_element_type3A_78 = arith.sitofp %mul3A_77 : vector<1x8xi32> to vector<1x8xf32>
    %iota3A_79 = tpu.iota {dimensions = array<i32: 0>} : vector<8x8xi32>
    %iota3A_80 = tpu.iota {dimensions = array<i32: 1>} : vector<8x8xi32>
    %lt3A = arith.cmpi slt, %iota3A_79, %iota3A_80 : vector<8x8xi32>
    %convert_element_type3A_81 = arith.extui %lt3A : vector<8x8xi1> to vector<8x8xi32>
    %convert_element_type3A_82 = arith.sitofp %convert_element_type3A_81 : vector<8x8xi32> to vector<8x8xf32>
    %dot_general3A_83 = arith.constant dense<0.000000e+00> : vector<1x8xf32>
    %dot_general3A_84 = tpu.matmul %convert_element_type3A_78, %convert_element_type3A_82, %dot_general3A_83 {dimension_numbers = #tpu.dot_dimension_numbers<[1], [0], [0], [1], [0, 0, 1, 1], [], []>, transpose_lhs_hint = false} : vector<1x8xf32>, vector<8x8xf32>, vector<1x8xf32> -> vector<1x8xf32>
    %add3A_85 = arith.addf %dot_general3A_84, %convert_element_type3A_78 : vector<1x8xf32>
    %iota3A_86 = tpu.iota {dimensions = array<i32: 0>} : vector<128x128xi32>
    %iota3A_87 = tpu.iota {dimensions = array<i32: 1>} : vector<128x128xi32>
    %lt3A_88 = arith.cmpi slt, %iota3A_87, %iota3A_86 : vector<128x128xi32>
    %convert_element_type3A_89 = arith.extui %lt3A_88 : vector<128x128xi1> to vector<128x128xi32>
    %convert_element_type3A_90 = arith.sitofp %convert_element_type3A_89 : vector<128x128xi32> to vector<128x128xf32>
    %slice3A = vector.extract_strided_slice %convert_element_type3A_26 {offsets = [0, 0], sizes = [128, 8], strides = [1, 1]} : vector<2048x8xf32> to vector<128x8xf32>
    %dot_general3A_91 = arith.constant dense<0.000000e+00> : vector<128x8xf32>
    %dot_general3A_92 = tpu.matmul %convert_element_type3A_90, %slice3A, %dot_general3A_91 {dimension_numbers = #tpu.dot_dimension_numbers<[1], [0], [0], [1], [0, 0, 1, 1], [], []>, transpose_lhs_hint = false} : vector<128x128xf32>, vector<128x8xf32>, vector<128x8xf32> -> vector<128x8xf32>
    %reduce_sum3A_93 = arith.constant dense<0.000000e+00> : vector<8xf32>
    %reduce_sum3A_94 = vector.multi_reduction <add>, %slice3A, %reduce_sum3A_93 [0] : vector<128x8xf32> to vector<8xf32>
    %broadcast_in_dim3A_95 = vector.shape_cast %reduce_sum3A_94 : vector<8xf32> to vector<1x8xf32>
    %slice3A_96 = vector.extract_strided_slice %convert_element_type3A_26 {offsets = [128, 0], sizes = [128, 8], strides = [1, 1]} : vector<2048x8xf32> to vector<128x8xf32>
    %dot_general3A_97 = arith.constant dense<0.000000e+00> : vector<128x8xf32>
    %dot_general3A_98 = tpu.matmul %convert_element_type3A_90, %slice3A_96, %dot_general3A_97 {dimension_numbers = #tpu.dot_dimension_numbers<[1], [0], [0], [1], [0, 0, 1, 1], [], []>, transpose_lhs_hint = false} : vector<128x128xf32>, vector<128x8xf32>, vector<128x8xf32> -> vector<128x8xf32>
    %reduce_sum3A_99 = arith.constant dense<0.000000e+00> : vector<8xf32>
    %reduce_sum3A_100 = vector.multi_reduction <add>, %slice3A_96, %reduce_sum3A_99 [0] : vector<128x8xf32> to vector<8xf32>
    %broadcast_in_dim3A_101 = vector.shape_cast %reduce_sum3A_100 : vector<8xf32> to vector<1x8xf32>
    %slice3A_102 = vector.extract_strided_slice %convert_element_type3A_26 {offsets = [256, 0], sizes = [128, 8], strides = [1, 1]} : vector<2048x8xf32> to vector<128x8xf32>
    %dot_general3A_103 = arith.constant dense<0.000000e+00> : vector<128x8xf32>
    %dot_general3A_104 = tpu.matmul %convert_element_type3A_90, %slice3A_102, %dot_general3A_103 {dimension_numbers = #tpu.dot_dimension_numbers<[1], [0], [0], [1], [0, 0, 1, 1], [], []>, transpose_lhs_hint = false} : vector<128x128xf32>, vector<128x8xf32>, vector<128x8xf32> -> vector<128x8xf32>
    %reduce_sum3A_105 = arith.constant dense<0.000000e+00> : vector<8xf32>
    %reduce_sum3A_106 = vector.multi_reduction <add>, %slice3A_102, %reduce_sum3A_105 [0] : vector<128x8xf32> to vector<8xf32>
    %broadcast_in_dim3A_107 = vector.shape_cast %reduce_sum3A_106 : vector<8xf32> to vector<1x8xf32>
    %slice3A_108 = vector.extract_strided_slice %convert_element_type3A_26 {offsets = [384, 0], sizes = [128, 8], strides = [1, 1]} : vector<2048x8xf32> to vector<128x8xf32>
    %dot_general3A_109 = arith.constant dense<0.000000e+00> : vector<128x8xf32>
    %dot_general3A_110 = tpu.matmul %convert_element_type3A_90, %slice3A_108, %dot_general3A_109 {dimension_numbers = #tpu.dot_dimension_numbers<[1], [0], [0], [1], [0, 0, 1, 1], [], []>, transpose_lhs_hint = false} : vector<128x128xf32>, vector<128x8xf32>, vector<128x8xf32> -> vector<128x8xf32>
    %reduce_sum3A_111 = arith.constant dense<0.000000e+00> : vector<8xf32>
    %reduce_sum3A_112 = vector.multi_reduction <add>, %slice3A_108, %reduce_sum3A_111 [0] : vector<128x8xf32> to vector<8xf32>
    %broadcast_in_dim3A_113 = vector.shape_cast %reduce_sum3A_112 : vector<8xf32> to vector<1x8xf32>
    %slice3A_114 = vector.extract_strided_slice %convert_element_type3A_26 {offsets = [512, 0], sizes = [128, 8], strides = [1, 1]} : vector<2048x8xf32> to vector<128x8xf32>
    %dot_general3A_115 = arith.constant dense<0.000000e+00> : vector<128x8xf32>
    %dot_general3A_116 = tpu.matmul %convert_element_type3A_90, %slice3A_114, %dot_general3A_115 {dimension_numbers = #tpu.dot_dimension_numbers<[1], [0], [0], [1], [0, 0, 1, 1], [], []>, transpose_lhs_hint = false} : vector<128x128xf32>, vector<128x8xf32>, vector<128x8xf32> -> vector<128x8xf32>
    %reduce_sum3A_117 = arith.constant dense<0.000000e+00> : vector<8xf32>
    %reduce_sum3A_118 = vector.multi_reduction <add>, %slice3A_114, %reduce_sum3A_117 [0] : vector<128x8xf32> to vector<8xf32>
    %broadcast_in_dim3A_119 = vector.shape_cast %reduce_sum3A_118 : vector<8xf32> to vector<1x8xf32>
    %slice3A_120 = vector.extract_strided_slice %convert_element_type3A_26 {offsets = [640, 0], sizes = [128, 8], strides = [1, 1]} : vector<2048x8xf32> to vector<128x8xf32>
    %dot_general3A_121 = arith.constant dense<0.000000e+00> : vector<128x8xf32>
    %dot_general3A_122 = tpu.matmul %convert_element_type3A_90, %slice3A_120, %dot_general3A_121 {dimension_numbers = #tpu.dot_dimension_numbers<[1], [0], [0], [1], [0, 0, 1, 1], [], []>, transpose_lhs_hint = false} : vector<128x128xf32>, vector<128x8xf32>, vector<128x8xf32> -> vector<128x8xf32>
    %reduce_sum3A_123 = arith.constant dense<0.000000e+00> : vector<8xf32>
    %reduce_sum3A_124 = vector.multi_reduction <add>, %slice3A_120, %reduce_sum3A_123 [0] : vector<128x8xf32> to vector<8xf32>
    %broadcast_in_dim3A_125 = vector.shape_cast %reduce_sum3A_124 : vector<8xf32> to vector<1x8xf32>
    %slice3A_126 = vector.extract_strided_slice %convert_element_type3A_26 {offsets = [768, 0], sizes = [128, 8], strides = [1, 1]} : vector<2048x8xf32> to vector<128x8xf32>
    %dot_general3A_127 = arith.constant dense<0.000000e+00> : vector<128x8xf32>
    %dot_general3A_128 = tpu.matmul %convert_element_type3A_90, %slice3A_126, %dot_general3A_127 {dimension_numbers = #tpu.dot_dimension_numbers<[1], [0], [0], [1], [0, 0, 1, 1], [], []>, transpose_lhs_hint = false} : vector<128x128xf32>, vector<128x8xf32>, vector<128x8xf32> -> vector<128x8xf32>
    %reduce_sum3A_129 = arith.constant dense<0.000000e+00> : vector<8xf32>
    %reduce_sum3A_130 = vector.multi_reduction <add>, %slice3A_126, %reduce_sum3A_129 [0] : vector<128x8xf32> to vector<8xf32>
    %broadcast_in_dim3A_131 = vector.shape_cast %reduce_sum3A_130 : vector<8xf32> to vector<1x8xf32>
    %slice3A_132 = vector.extract_strided_slice %convert_element_type3A_26 {offsets = [896, 0], sizes = [128, 8], strides = [1, 1]} : vector<2048x8xf32> to vector<128x8xf32>
    %dot_general3A_133 = arith.constant dense<0.000000e+00> : vector<128x8xf32>
    %dot_general3A_134 = tpu.matmul %convert_element_type3A_90, %slice3A_132, %dot_general3A_133 {dimension_numbers = #tpu.dot_dimension_numbers<[1], [0], [0], [1], [0, 0, 1, 1], [], []>, transpose_lhs_hint = false} : vector<128x128xf32>, vector<128x8xf32>, vector<128x8xf32> -> vector<128x8xf32>
    %reduce_sum3A_135 = arith.constant dense<0.000000e+00> : vector<8xf32>
    %reduce_sum3A_136 = vector.multi_reduction <add>, %slice3A_132, %reduce_sum3A_135 [0] : vector<128x8xf32> to vector<8xf32>
    %broadcast_in_dim3A_137 = vector.shape_cast %reduce_sum3A_136 : vector<8xf32> to vector<1x8xf32>
    %slice3A_138 = vector.extract_strided_slice %convert_element_type3A_26 {offsets = [1024, 0], sizes = [128, 8], strides = [1, 1]} : vector<2048x8xf32> to vector<128x8xf32>
    %dot_general3A_139 = arith.constant dense<0.000000e+00> : vector<128x8xf32>
    %dot_general3A_140 = tpu.matmul %convert_element_type3A_90, %slice3A_138, %dot_general3A_139 {dimension_numbers = #tpu.dot_dimension_numbers<[1], [0], [0], [1], [0, 0, 1, 1], [], []>, transpose_lhs_hint = false} : vector<128x128xf32>, vector<128x8xf32>, vector<128x8xf32> -> vector<128x8xf32>
    %reduce_sum3A_141 = arith.constant dense<0.000000e+00> : vector<8xf32>
    %reduce_sum3A_142 = vector.multi_reduction <add>, %slice3A_138, %reduce_sum3A_141 [0] : vector<128x8xf32> to vector<8xf32>
    %broadcast_in_dim3A_143 = vector.shape_cast %reduce_sum3A_142 : vector<8xf32> to vector<1x8xf32>
    %slice3A_144 = vector.extract_strided_slice %convert_element_type3A_26 {offsets = [1152, 0], sizes = [128, 8], strides = [1, 1]} : vector<2048x8xf32> to vector<128x8xf32>
    %dot_general3A_145 = arith.constant dense<0.000000e+00> : vector<128x8xf32>
    %dot_general3A_146 = tpu.matmul %convert_element_type3A_90, %slice3A_144, %dot_general3A_145 {dimension_numbers = #tpu.dot_dimension_numbers<[1], [0], [0], [1], [0, 0, 1, 1], [], []>, transpose_lhs_hint = false} : vector<128x128xf32>, vector<128x8xf32>, vector<128x8xf32> -> vector<128x8xf32>
    %reduce_sum3A_147 = arith.constant dense<0.000000e+00> : vector<8xf32>
    %reduce_sum3A_148 = vector.multi_reduction <add>, %slice3A_144, %reduce_sum3A_147 [0] : vector<128x8xf32> to vector<8xf32>
    %broadcast_in_dim3A_149 = vector.shape_cast %reduce_sum3A_148 : vector<8xf32> to vector<1x8xf32>
    %slice3A_150 = vector.extract_strided_slice %convert_element_type3A_26 {offsets = [1280, 0], sizes = [128, 8], strides = [1, 1]} : vector<2048x8xf32> to vector<128x8xf32>
    %dot_general3A_151 = arith.constant dense<0.000000e+00> : vector<128x8xf32>
    %dot_general3A_152 = tpu.matmul %convert_element_type3A_90, %slice3A_150, %dot_general3A_151 {dimension_numbers = #tpu.dot_dimension_numbers<[1], [0], [0], [1], [0, 0, 1, 1], [], []>, transpose_lhs_hint = false} : vector<128x128xf32>, vector<128x8xf32>, vector<128x8xf32> -> vector<128x8xf32>
    %reduce_sum3A_153 = arith.constant dense<0.000000e+00> : vector<8xf32>
    %reduce_sum3A_154 = vector.multi_reduction <add>, %slice3A_150, %reduce_sum3A_153 [0] : vector<128x8xf32> to vector<8xf32>
    %broadcast_in_dim3A_155 = vector.shape_cast %reduce_sum3A_154 : vector<8xf32> to vector<1x8xf32>
    %slice3A_156 = vector.extract_strided_slice %convert_element_type3A_26 {offsets = [1408, 0], sizes = [128, 8], strides = [1, 1]} : vector<2048x8xf32> to vector<128x8xf32>
    %dot_general3A_157 = arith.constant dense<0.000000e+00> : vector<128x8xf32>
    %dot_general3A_158 = tpu.matmul %convert_element_type3A_90, %slice3A_156, %dot_general3A_157 {dimension_numbers = #tpu.dot_dimension_numbers<[1], [0], [0], [1], [0, 0, 1, 1], [], []>, transpose_lhs_hint = false} : vector<128x128xf32>, vector<128x8xf32>, vector<128x8xf32> -> vector<128x8xf32>
    %reduce_sum3A_159 = arith.constant dense<0.000000e+00> : vector<8xf32>
    %reduce_sum3A_160 = vector.multi_reduction <add>, %slice3A_156, %reduce_sum3A_159 [0] : vector<128x8xf32> to vector<8xf32>
    %broadcast_in_dim3A_161 = vector.shape_cast %reduce_sum3A_160 : vector<8xf32> to vector<1x8xf32>
    %slice3A_162 = vector.extract_strided_slice %convert_element_type3A_26 {offsets = [1536, 0], sizes = [128, 8], strides = [1, 1]} : vector<2048x8xf32> to vector<128x8xf32>
    %dot_general3A_163 = arith.constant dense<0.000000e+00> : vector<128x8xf32>
    %dot_general3A_164 = tpu.matmul %convert_element_type3A_90, %slice3A_162, %dot_general3A_163 {dimension_numbers = #tpu.dot_dimension_numbers<[1], [0], [0], [1], [0, 0, 1, 1], [], []>, transpose_lhs_hint = false} : vector<128x128xf32>, vector<128x8xf32>, vector<128x8xf32> -> vector<128x8xf32>
    %reduce_sum3A_165 = arith.constant dense<0.000000e+00> : vector<8xf32>
    %reduce_sum3A_166 = vector.multi_reduction <add>, %slice3A_162, %reduce_sum3A_165 [0] : vector<128x8xf32> to vector<8xf32>
    %broadcast_in_dim3A_167 = vector.shape_cast %reduce_sum3A_166 : vector<8xf32> to vector<1x8xf32>
    %slice3A_168 = vector.extract_strided_slice %convert_element_type3A_26 {offsets = [1664, 0], sizes = [128, 8], strides = [1, 1]} : vector<2048x8xf32> to vector<128x8xf32>
    %dot_general3A_169 = arith.constant dense<0.000000e+00> : vector<128x8xf32>
    %dot_general3A_170 = tpu.matmul %convert_element_type3A_90, %slice3A_168, %dot_general3A_169 {dimension_numbers = #tpu.dot_dimension_numbers<[1], [0], [0], [1], [0, 0, 1, 1], [], []>, transpose_lhs_hint = false} : vector<128x128xf32>, vector<128x8xf32>, vector<128x8xf32> -> vector<128x8xf32>
    %reduce_sum3A_171 = arith.constant dense<0.000000e+00> : vector<8xf32>
    %reduce_sum3A_172 = vector.multi_reduction <add>, %slice3A_168, %reduce_sum3A_171 [0] : vector<128x8xf32> to vector<8xf32>
    %broadcast_in_dim3A_173 = vector.shape_cast %reduce_sum3A_172 : vector<8xf32> to vector<1x8xf32>
    %slice3A_174 = vector.extract_strided_slice %convert_element_type3A_26 {offsets = [1792, 0], sizes = [128, 8], strides = [1, 1]} : vector<2048x8xf32> to vector<128x8xf32>
    %dot_general3A_175 = arith.constant dense<0.000000e+00> : vector<128x8xf32>
    %dot_general3A_176 = tpu.matmul %convert_element_type3A_90, %slice3A_174, %dot_general3A_175 {dimension_numbers = #tpu.dot_dimension_numbers<[1], [0], [0], [1], [0, 0, 1, 1], [], []>, transpose_lhs_hint = false} : vector<128x128xf32>, vector<128x8xf32>, vector<128x8xf32> -> vector<128x8xf32>
    %reduce_sum3A_177 = arith.constant dense<0.000000e+00> : vector<8xf32>
    %reduce_sum3A_178 = vector.multi_reduction <add>, %slice3A_174, %reduce_sum3A_177 [0] : vector<128x8xf32> to vector<8xf32>
    %broadcast_in_dim3A_179 = vector.shape_cast %reduce_sum3A_178 : vector<8xf32> to vector<1x8xf32>
    %slice3A_180 = vector.extract_strided_slice %convert_element_type3A_26 {offsets = [1920, 0], sizes = [128, 8], strides = [1, 1]} : vector<2048x8xf32> to vector<128x8xf32>
    %dot_general3A_181 = arith.constant dense<0.000000e+00> : vector<128x8xf32>
    %dot_general3A_182 = tpu.matmul %convert_element_type3A_90, %slice3A_180, %dot_general3A_181 {dimension_numbers = #tpu.dot_dimension_numbers<[1], [0], [0], [1], [0, 0, 1, 1], [], []>, transpose_lhs_hint = false} : vector<128x128xf32>, vector<128x8xf32>, vector<128x8xf32> -> vector<128x8xf32>
    %reduce_sum3A_183 = arith.constant dense<0.000000e+00> : vector<8xf32>
    %reduce_sum3A_184 = vector.multi_reduction <add>, %slice3A_180, %reduce_sum3A_183 [0] : vector<128x8xf32> to vector<8xf32>
    %broadcast_in_dim3A_185 = vector.shape_cast %reduce_sum3A_184 : vector<8xf32> to vector<1x8xf32>
    %concatenate3A_186 = tpu.concatenate %broadcast_in_dim3A_95, %broadcast_in_dim3A_101, %broadcast_in_dim3A_107, %broadcast_in_dim3A_113, %broadcast_in_dim3A_119, %broadcast_in_dim3A_125, %broadcast_in_dim3A_131, %broadcast_in_dim3A_137, %broadcast_in_dim3A_143, %broadcast_in_dim3A_149, %broadcast_in_dim3A_155, %broadcast_in_dim3A_161, %broadcast_in_dim3A_167, %broadcast_in_dim3A_173, %broadcast_in_dim3A_179, %broadcast_in_dim3A_185 in 0 : vector<1x8xf32>, vector<1x8xf32>, vector<1x8xf32>, vector<1x8xf32>, vector<1x8xf32>, vector<1x8xf32>, vector<1x8xf32>, vector<1x8xf32>, vector<1x8xf32>, vector<1x8xf32>, vector<1x8xf32>, vector<1x8xf32>, vector<1x8xf32>, vector<1x8xf32>, vector<1x8xf32>, vector<1x8xf32> -> vector<16x8xf32>
    %iota3A_187 = tpu.iota {dimensions = array<i32: 0>} : vector<16x16xi32>
    %iota3A_188 = tpu.iota {dimensions = array<i32: 1>} : vector<16x16xi32>
    %lt3A_189 = arith.cmpi slt, %iota3A_188, %iota3A_187 : vector<16x16xi32>
    %convert_element_type3A_190 = arith.extui %lt3A_189 : vector<16x16xi1> to vector<16x16xi32>
    %convert_element_type3A_191 = arith.sitofp %convert_element_type3A_190 : vector<16x16xi32> to vector<16x16xf32>
    %dot_general3A_192 = arith.constant dense<0.000000e+00> : vector<16x8xf32>
    %dot_general3A_193 = tpu.matmul %convert_element_type3A_191, %concatenate3A_186, %dot_general3A_192 {dimension_numbers = #tpu.dot_dimension_numbers<[1], [0], [0], [1], [0, 0, 1, 1], [], []>, transpose_lhs_hint = false} : vector<16x16xf32>, vector<16x8xf32>, vector<16x8xf32> -> vector<16x8xf32>
    %slice3A_194 = vector.extract_strided_slice %dot_general3A_193 {offsets = [0, 0], sizes = [1, 8], strides = [1, 1]} : vector<16x8xf32> to vector<1x8xf32>
    %add3A_195 = vector.broadcast %slice3A_194 : vector<1x8xf32> to vector<128x8xf32>
    %add3A_196 = arith.addf %dot_general3A_92, %add3A_195 : vector<128x8xf32>
    %add3A_197 = vector.broadcast %dot_general3A_84 : vector<1x8xf32> to vector<128x8xf32>
    %add3A_198 = arith.addf %add3A_196, %add3A_197 : vector<128x8xf32>
    %slice3A_199 = vector.extract_strided_slice %convert_element_type3A_26 {offsets = [0, 0], sizes = [128, 8], strides = [1, 1]} : vector<2048x8xf32> to vector<128x8xf32>
    %mul3A_200 = arith.mulf %add3A_198, %slice3A_199 : vector<128x8xf32>
    %transpose3A = tpu.transpose %mul3A_200, [1, 0] : vector<128x8xf32> -> vector<8x128xf32>
    %reduce_sum3A_201 = arith.constant dense<0.000000e+00> : vector<128xf32>
    %reduce_sum3A_202 = vector.multi_reduction <add>, %transpose3A, %reduce_sum3A_201 [0] : vector<8x128xf32> to vector<128xf32>
    %broadcast_in_dim3A_203 = vector.shape_cast %reduce_sum3A_202 : vector<128xf32> to vector<1x128xf32>
    %slice3A_204 = vector.extract_strided_slice %dot_general3A_193 {offsets = [1, 0], sizes = [1, 8], strides = [1, 1]} : vector<16x8xf32> to vector<1x8xf32>
    %add3A_205 = vector.broadcast %slice3A_204 : vector<1x8xf32> to vector<128x8xf32>
    %add3A_206 = arith.addf %dot_general3A_98, %add3A_205 : vector<128x8xf32>
    %add3A_207 = vector.broadcast %dot_general3A_84 : vector<1x8xf32> to vector<128x8xf32>
    %add3A_208 = arith.addf %add3A_206, %add3A_207 : vector<128x8xf32>
    %slice3A_209 = vector.extract_strided_slice %convert_element_type3A_26 {offsets = [128, 0], sizes = [128, 8], strides = [1, 1]} : vector<2048x8xf32> to vector<128x8xf32>
    %mul3A_210 = arith.mulf %add3A_208, %slice3A_209 : vector<128x8xf32>
    %transpose3A_211 = tpu.transpose %mul3A_210, [1, 0] : vector<128x8xf32> -> vector<8x128xf32>
    %reduce_sum3A_212 = arith.constant dense<0.000000e+00> : vector<128xf32>
    %reduce_sum3A_213 = vector.multi_reduction <add>, %transpose3A_211, %reduce_sum3A_212 [0] : vector<8x128xf32> to vector<128xf32>
    %broadcast_in_dim3A_214 = vector.shape_cast %reduce_sum3A_213 : vector<128xf32> to vector<1x128xf32>
    %slice3A_215 = vector.extract_strided_slice %dot_general3A_193 {offsets = [2, 0], sizes = [1, 8], strides = [1, 1]} : vector<16x8xf32> to vector<1x8xf32>
    %add3A_216 = vector.broadcast %slice3A_215 : vector<1x8xf32> to vector<128x8xf32>
    %add3A_217 = arith.addf %dot_general3A_104, %add3A_216 : vector<128x8xf32>
    %add3A_218 = vector.broadcast %dot_general3A_84 : vector<1x8xf32> to vector<128x8xf32>
    %add3A_219 = arith.addf %add3A_217, %add3A_218 : vector<128x8xf32>
    %slice3A_220 = vector.extract_strided_slice %convert_element_type3A_26 {offsets = [256, 0], sizes = [128, 8], strides = [1, 1]} : vector<2048x8xf32> to vector<128x8xf32>
    %mul3A_221 = arith.mulf %add3A_219, %slice3A_220 : vector<128x8xf32>
    %transpose3A_222 = tpu.transpose %mul3A_221, [1, 0] : vector<128x8xf32> -> vector<8x128xf32>
    %reduce_sum3A_223 = arith.constant dense<0.000000e+00> : vector<128xf32>
    %reduce_sum3A_224 = vector.multi_reduction <add>, %transpose3A_222, %reduce_sum3A_223 [0] : vector<8x128xf32> to vector<128xf32>
    %broadcast_in_dim3A_225 = vector.shape_cast %reduce_sum3A_224 : vector<128xf32> to vector<1x128xf32>
    %slice3A_226 = vector.extract_strided_slice %dot_general3A_193 {offsets = [3, 0], sizes = [1, 8], strides = [1, 1]} : vector<16x8xf32> to vector<1x8xf32>
    %add3A_227 = vector.broadcast %slice3A_226 : vector<1x8xf32> to vector<128x8xf32>
    %add3A_228 = arith.addf %dot_general3A_110, %add3A_227 : vector<128x8xf32>
    %add3A_229 = vector.broadcast %dot_general3A_84 : vector<1x8xf32> to vector<128x8xf32>
    %add3A_230 = arith.addf %add3A_228, %add3A_229 : vector<128x8xf32>
    %slice3A_231 = vector.extract_strided_slice %convert_element_type3A_26 {offsets = [384, 0], sizes = [128, 8], strides = [1, 1]} : vector<2048x8xf32> to vector<128x8xf32>
    %mul3A_232 = arith.mulf %add3A_230, %slice3A_231 : vector<128x8xf32>
    %transpose3A_233 = tpu.transpose %mul3A_232, [1, 0] : vector<128x8xf32> -> vector<8x128xf32>
    %reduce_sum3A_234 = arith.constant dense<0.000000e+00> : vector<128xf32>
    %reduce_sum3A_235 = vector.multi_reduction <add>, %transpose3A_233, %reduce_sum3A_234 [0] : vector<8x128xf32> to vector<128xf32>
    %broadcast_in_dim3A_236 = vector.shape_cast %reduce_sum3A_235 : vector<128xf32> to vector<1x128xf32>
    %slice3A_237 = vector.extract_strided_slice %dot_general3A_193 {offsets = [4, 0], sizes = [1, 8], strides = [1, 1]} : vector<16x8xf32> to vector<1x8xf32>
    %add3A_238 = vector.broadcast %slice3A_237 : vector<1x8xf32> to vector<128x8xf32>
    %add3A_239 = arith.addf %dot_general3A_116, %add3A_238 : vector<128x8xf32>
    %add3A_240 = vector.broadcast %dot_general3A_84 : vector<1x8xf32> to vector<128x8xf32>
    %add3A_241 = arith.addf %add3A_239, %add3A_240 : vector<128x8xf32>
    %slice3A_242 = vector.extract_strided_slice %convert_element_type3A_26 {offsets = [512, 0], sizes = [128, 8], strides = [1, 1]} : vector<2048x8xf32> to vector<128x8xf32>
    %mul3A_243 = arith.mulf %add3A_241, %slice3A_242 : vector<128x8xf32>
    %transpose3A_244 = tpu.transpose %mul3A_243, [1, 0] : vector<128x8xf32> -> vector<8x128xf32>
    %reduce_sum3A_245 = arith.constant dense<0.000000e+00> : vector<128xf32>
    %reduce_sum3A_246 = vector.multi_reduction <add>, %transpose3A_244, %reduce_sum3A_245 [0] : vector<8x128xf32> to vector<128xf32>
    %broadcast_in_dim3A_247 = vector.shape_cast %reduce_sum3A_246 : vector<128xf32> to vector<1x128xf32>
    %slice3A_248 = vector.extract_strided_slice %dot_general3A_193 {offsets = [5, 0], sizes = [1, 8], strides = [1, 1]} : vector<16x8xf32> to vector<1x8xf32>
    %add3A_249 = vector.broadcast %slice3A_248 : vector<1x8xf32> to vector<128x8xf32>
    %add3A_250 = arith.addf %dot_general3A_122, %add3A_249 : vector<128x8xf32>
    %add3A_251 = vector.broadcast %dot_general3A_84 : vector<1x8xf32> to vector<128x8xf32>
    %add3A_252 = arith.addf %add3A_250, %add3A_251 : vector<128x8xf32>
    %slice3A_253 = vector.extract_strided_slice %convert_element_type3A_26 {offsets = [640, 0], sizes = [128, 8], strides = [1, 1]} : vector<2048x8xf32> to vector<128x8xf32>
    %mul3A_254 = arith.mulf %add3A_252, %slice3A_253 : vector<128x8xf32>
    %transpose3A_255 = tpu.transpose %mul3A_254, [1, 0] : vector<128x8xf32> -> vector<8x128xf32>
    %reduce_sum3A_256 = arith.constant dense<0.000000e+00> : vector<128xf32>
    %reduce_sum3A_257 = vector.multi_reduction <add>, %transpose3A_255, %reduce_sum3A_256 [0] : vector<8x128xf32> to vector<128xf32>
    %broadcast_in_dim3A_258 = vector.shape_cast %reduce_sum3A_257 : vector<128xf32> to vector<1x128xf32>
    %slice3A_259 = vector.extract_strided_slice %dot_general3A_193 {offsets = [6, 0], sizes = [1, 8], strides = [1, 1]} : vector<16x8xf32> to vector<1x8xf32>
    %add3A_260 = vector.broadcast %slice3A_259 : vector<1x8xf32> to vector<128x8xf32>
    %add3A_261 = arith.addf %dot_general3A_128, %add3A_260 : vector<128x8xf32>
    %add3A_262 = vector.broadcast %dot_general3A_84 : vector<1x8xf32> to vector<128x8xf32>
    %add3A_263 = arith.addf %add3A_261, %add3A_262 : vector<128x8xf32>
    %slice3A_264 = vector.extract_strided_slice %convert_element_type3A_26 {offsets = [768, 0], sizes = [128, 8], strides = [1, 1]} : vector<2048x8xf32> to vector<128x8xf32>
    %mul3A_265 = arith.mulf %add3A_263, %slice3A_264 : vector<128x8xf32>
    %transpose3A_266 = tpu.transpose %mul3A_265, [1, 0] : vector<128x8xf32> -> vector<8x128xf32>
    %reduce_sum3A_267 = arith.constant dense<0.000000e+00> : vector<128xf32>
    %reduce_sum3A_268 = vector.multi_reduction <add>, %transpose3A_266, %reduce_sum3A_267 [0] : vector<8x128xf32> to vector<128xf32>
    %broadcast_in_dim3A_269 = vector.shape_cast %reduce_sum3A_268 : vector<128xf32> to vector<1x128xf32>
    %slice3A_270 = vector.extract_strided_slice %dot_general3A_193 {offsets = [7, 0], sizes = [1, 8], strides = [1, 1]} : vector<16x8xf32> to vector<1x8xf32>
    %add3A_271 = vector.broadcast %slice3A_270 : vector<1x8xf32> to vector<128x8xf32>
    %add3A_272 = arith.addf %dot_general3A_134, %add3A_271 : vector<128x8xf32>
    %add3A_273 = vector.broadcast %dot_general3A_84 : vector<1x8xf32> to vector<128x8xf32>
    %add3A_274 = arith.addf %add3A_272, %add3A_273 : vector<128x8xf32>
    %slice3A_275 = vector.extract_strided_slice %convert_element_type3A_26 {offsets = [896, 0], sizes = [128, 8], strides = [1, 1]} : vector<2048x8xf32> to vector<128x8xf32>
    %mul3A_276 = arith.mulf %add3A_274, %slice3A_275 : vector<128x8xf32>
    %transpose3A_277 = tpu.transpose %mul3A_276, [1, 0] : vector<128x8xf32> -> vector<8x128xf32>
    %reduce_sum3A_278 = arith.constant dense<0.000000e+00> : vector<128xf32>
    %reduce_sum3A_279 = vector.multi_reduction <add>, %transpose3A_277, %reduce_sum3A_278 [0] : vector<8x128xf32> to vector<128xf32>
    %broadcast_in_dim3A_280 = vector.shape_cast %reduce_sum3A_279 : vector<128xf32> to vector<1x128xf32>
    %slice3A_281 = vector.extract_strided_slice %dot_general3A_193 {offsets = [8, 0], sizes = [1, 8], strides = [1, 1]} : vector<16x8xf32> to vector<1x8xf32>
    %add3A_282 = vector.broadcast %slice3A_281 : vector<1x8xf32> to vector<128x8xf32>
    %add3A_283 = arith.addf %dot_general3A_140, %add3A_282 : vector<128x8xf32>
    %add3A_284 = vector.broadcast %dot_general3A_84 : vector<1x8xf32> to vector<128x8xf32>
    %add3A_285 = arith.addf %add3A_283, %add3A_284 : vector<128x8xf32>
    %slice3A_286 = vector.extract_strided_slice %convert_element_type3A_26 {offsets = [1024, 0], sizes = [128, 8], strides = [1, 1]} : vector<2048x8xf32> to vector<128x8xf32>
    %mul3A_287 = arith.mulf %add3A_285, %slice3A_286 : vector<128x8xf32>
    %transpose3A_288 = tpu.transpose %mul3A_287, [1, 0] : vector<128x8xf32> -> vector<8x128xf32>
    %reduce_sum3A_289 = arith.constant dense<0.000000e+00> : vector<128xf32>
    %reduce_sum3A_290 = vector.multi_reduction <add>, %transpose3A_288, %reduce_sum3A_289 [0] : vector<8x128xf32> to vector<128xf32>
    %broadcast_in_dim3A_291 = vector.shape_cast %reduce_sum3A_290 : vector<128xf32> to vector<1x128xf32>
    %slice3A_292 = vector.extract_strided_slice %dot_general3A_193 {offsets = [9, 0], sizes = [1, 8], strides = [1, 1]} : vector<16x8xf32> to vector<1x8xf32>
    %add3A_293 = vector.broadcast %slice3A_292 : vector<1x8xf32> to vector<128x8xf32>
    %add3A_294 = arith.addf %dot_general3A_146, %add3A_293 : vector<128x8xf32>
    %add3A_295 = vector.broadcast %dot_general3A_84 : vector<1x8xf32> to vector<128x8xf32>
    %add3A_296 = arith.addf %add3A_294, %add3A_295 : vector<128x8xf32>
    %slice3A_297 = vector.extract_strided_slice %convert_element_type3A_26 {offsets = [1152, 0], sizes = [128, 8], strides = [1, 1]} : vector<2048x8xf32> to vector<128x8xf32>
    %mul3A_298 = arith.mulf %add3A_296, %slice3A_297 : vector<128x8xf32>
    %transpose3A_299 = tpu.transpose %mul3A_298, [1, 0] : vector<128x8xf32> -> vector<8x128xf32>
    %reduce_sum3A_300 = arith.constant dense<0.000000e+00> : vector<128xf32>
    %reduce_sum3A_301 = vector.multi_reduction <add>, %transpose3A_299, %reduce_sum3A_300 [0] : vector<8x128xf32> to vector<128xf32>
    %broadcast_in_dim3A_302 = vector.shape_cast %reduce_sum3A_301 : vector<128xf32> to vector<1x128xf32>
    %slice3A_303 = vector.extract_strided_slice %dot_general3A_193 {offsets = [10, 0], sizes = [1, 8], strides = [1, 1]} : vector<16x8xf32> to vector<1x8xf32>
    %add3A_304 = vector.broadcast %slice3A_303 : vector<1x8xf32> to vector<128x8xf32>
    %add3A_305 = arith.addf %dot_general3A_152, %add3A_304 : vector<128x8xf32>
    %add3A_306 = vector.broadcast %dot_general3A_84 : vector<1x8xf32> to vector<128x8xf32>
    %add3A_307 = arith.addf %add3A_305, %add3A_306 : vector<128x8xf32>
    %slice3A_308 = vector.extract_strided_slice %convert_element_type3A_26 {offsets = [1280, 0], sizes = [128, 8], strides = [1, 1]} : vector<2048x8xf32> to vector<128x8xf32>
    %mul3A_309 = arith.mulf %add3A_307, %slice3A_308 : vector<128x8xf32>
    %transpose3A_310 = tpu.transpose %mul3A_309, [1, 0] : vector<128x8xf32> -> vector<8x128xf32>
    %reduce_sum3A_311 = arith.constant dense<0.000000e+00> : vector<128xf32>
    %reduce_sum3A_312 = vector.multi_reduction <add>, %transpose3A_310, %reduce_sum3A_311 [0] : vector<8x128xf32> to vector<128xf32>
    %broadcast_in_dim3A_313 = vector.shape_cast %reduce_sum3A_312 : vector<128xf32> to vector<1x128xf32>
    %slice3A_314 = vector.extract_strided_slice %dot_general3A_193 {offsets = [11, 0], sizes = [1, 8], strides = [1, 1]} : vector<16x8xf32> to vector<1x8xf32>
    %add3A_315 = vector.broadcast %slice3A_314 : vector<1x8xf32> to vector<128x8xf32>
    %add3A_316 = arith.addf %dot_general3A_158, %add3A_315 : vector<128x8xf32>
    %add3A_317 = vector.broadcast %dot_general3A_84 : vector<1x8xf32> to vector<128x8xf32>
    %add3A_318 = arith.addf %add3A_316, %add3A_317 : vector<128x8xf32>
    %slice3A_319 = vector.extract_strided_slice %convert_element_type3A_26 {offsets = [1408, 0], sizes = [128, 8], strides = [1, 1]} : vector<2048x8xf32> to vector<128x8xf32>
    %mul3A_320 = arith.mulf %add3A_318, %slice3A_319 : vector<128x8xf32>
    %transpose3A_321 = tpu.transpose %mul3A_320, [1, 0] : vector<128x8xf32> -> vector<8x128xf32>
    %reduce_sum3A_322 = arith.constant dense<0.000000e+00> : vector<128xf32>
    %reduce_sum3A_323 = vector.multi_reduction <add>, %transpose3A_321, %reduce_sum3A_322 [0] : vector<8x128xf32> to vector<128xf32>
    %broadcast_in_dim3A_324 = vector.shape_cast %reduce_sum3A_323 : vector<128xf32> to vector<1x128xf32>
    %slice3A_325 = vector.extract_strided_slice %dot_general3A_193 {offsets = [12, 0], sizes = [1, 8], strides = [1, 1]} : vector<16x8xf32> to vector<1x8xf32>
    %add3A_326 = vector.broadcast %slice3A_325 : vector<1x8xf32> to vector<128x8xf32>
    %add3A_327 = arith.addf %dot_general3A_164, %add3A_326 : vector<128x8xf32>
    %add3A_328 = vector.broadcast %dot_general3A_84 : vector<1x8xf32> to vector<128x8xf32>
    %add3A_329 = arith.addf %add3A_327, %add3A_328 : vector<128x8xf32>
    %slice3A_330 = vector.extract_strided_slice %convert_element_type3A_26 {offsets = [1536, 0], sizes = [128, 8], strides = [1, 1]} : vector<2048x8xf32> to vector<128x8xf32>
    %mul3A_331 = arith.mulf %add3A_329, %slice3A_330 : vector<128x8xf32>
    %transpose3A_332 = tpu.transpose %mul3A_331, [1, 0] : vector<128x8xf32> -> vector<8x128xf32>
    %reduce_sum3A_333 = arith.constant dense<0.000000e+00> : vector<128xf32>
    %reduce_sum3A_334 = vector.multi_reduction <add>, %transpose3A_332, %reduce_sum3A_333 [0] : vector<8x128xf32> to vector<128xf32>
    %broadcast_in_dim3A_335 = vector.shape_cast %reduce_sum3A_334 : vector<128xf32> to vector<1x128xf32>
    %slice3A_336 = vector.extract_strided_slice %dot_general3A_193 {offsets = [13, 0], sizes = [1, 8], strides = [1, 1]} : vector<16x8xf32> to vector<1x8xf32>
    %add3A_337 = vector.broadcast %slice3A_336 : vector<1x8xf32> to vector<128x8xf32>
    %add3A_338 = arith.addf %dot_general3A_170, %add3A_337 : vector<128x8xf32>
    %add3A_339 = vector.broadcast %dot_general3A_84 : vector<1x8xf32> to vector<128x8xf32>
    %add3A_340 = arith.addf %add3A_338, %add3A_339 : vector<128x8xf32>
    %slice3A_341 = vector.extract_strided_slice %convert_element_type3A_26 {offsets = [1664, 0], sizes = [128, 8], strides = [1, 1]} : vector<2048x8xf32> to vector<128x8xf32>
    %mul3A_342 = arith.mulf %add3A_340, %slice3A_341 : vector<128x8xf32>
    %transpose3A_343 = tpu.transpose %mul3A_342, [1, 0] : vector<128x8xf32> -> vector<8x128xf32>
    %reduce_sum3A_344 = arith.constant dense<0.000000e+00> : vector<128xf32>
    %reduce_sum3A_345 = vector.multi_reduction <add>, %transpose3A_343, %reduce_sum3A_344 [0] : vector<8x128xf32> to vector<128xf32>
    %broadcast_in_dim3A_346 = vector.shape_cast %reduce_sum3A_345 : vector<128xf32> to vector<1x128xf32>
    %slice3A_347 = vector.extract_strided_slice %dot_general3A_193 {offsets = [14, 0], sizes = [1, 8], strides = [1, 1]} : vector<16x8xf32> to vector<1x8xf32>
    %add3A_348 = vector.broadcast %slice3A_347 : vector<1x8xf32> to vector<128x8xf32>
    %add3A_349 = arith.addf %dot_general3A_176, %add3A_348 : vector<128x8xf32>
    %add3A_350 = vector.broadcast %dot_general3A_84 : vector<1x8xf32> to vector<128x8xf32>
    %add3A_351 = arith.addf %add3A_349, %add3A_350 : vector<128x8xf32>
    %slice3A_352 = vector.extract_strided_slice %convert_element_type3A_26 {offsets = [1792, 0], sizes = [128, 8], strides = [1, 1]} : vector<2048x8xf32> to vector<128x8xf32>
    %mul3A_353 = arith.mulf %add3A_351, %slice3A_352 : vector<128x8xf32>
    %transpose3A_354 = tpu.transpose %mul3A_353, [1, 0] : vector<128x8xf32> -> vector<8x128xf32>
    %reduce_sum3A_355 = arith.constant dense<0.000000e+00> : vector<128xf32>
    %reduce_sum3A_356 = vector.multi_reduction <add>, %transpose3A_354, %reduce_sum3A_355 [0] : vector<8x128xf32> to vector<128xf32>
    %broadcast_in_dim3A_357 = vector.shape_cast %reduce_sum3A_356 : vector<128xf32> to vector<1x128xf32>
    %slice3A_358 = vector.extract_strided_slice %dot_general3A_193 {offsets = [15, 0], sizes = [1, 8], strides = [1, 1]} : vector<16x8xf32> to vector<1x8xf32>
    %add3A_359 = vector.broadcast %slice3A_358 : vector<1x8xf32> to vector<128x8xf32>
    %add3A_360 = arith.addf %dot_general3A_182, %add3A_359 : vector<128x8xf32>
    %add3A_361 = vector.broadcast %dot_general3A_84 : vector<1x8xf32> to vector<128x8xf32>
    %add3A_362 = arith.addf %add3A_360, %add3A_361 : vector<128x8xf32>
    %slice3A_363 = vector.extract_strided_slice %convert_element_type3A_26 {offsets = [1920, 0], sizes = [128, 8], strides = [1, 1]} : vector<2048x8xf32> to vector<128x8xf32>
    %mul3A_364 = arith.mulf %add3A_362, %slice3A_363 : vector<128x8xf32>
    %transpose3A_365 = tpu.transpose %mul3A_364, [1, 0] : vector<128x8xf32> -> vector<8x128xf32>
    %reduce_sum3A_366 = arith.constant dense<0.000000e+00> : vector<128xf32>
    %reduce_sum3A_367 = vector.multi_reduction <add>, %transpose3A_365, %reduce_sum3A_366 [0] : vector<8x128xf32> to vector<128xf32>
    %broadcast_in_dim3A_368 = vector.shape_cast %reduce_sum3A_367 : vector<128xf32> to vector<1x128xf32>
    %concatenate3A_369 = tpu.concatenate %broadcast_in_dim3A_203, %broadcast_in_dim3A_214, %broadcast_in_dim3A_225, %broadcast_in_dim3A_236, %broadcast_in_dim3A_247, %broadcast_in_dim3A_258, %broadcast_in_dim3A_269, %broadcast_in_dim3A_280, %broadcast_in_dim3A_291, %broadcast_in_dim3A_302, %broadcast_in_dim3A_313, %broadcast_in_dim3A_324, %broadcast_in_dim3A_335, %broadcast_in_dim3A_346, %broadcast_in_dim3A_357, %broadcast_in_dim3A_368 in 0 : vector<1x128xf32>, vector<1x128xf32>, vector<1x128xf32>, vector<1x128xf32>, vector<1x128xf32>, vector<1x128xf32>, vector<1x128xf32>, vector<1x128xf32>, vector<1x128xf32>, vector<1x128xf32>, vector<1x128xf32>, vector<1x128xf32>, vector<1x128xf32>, vector<1x128xf32>, vector<1x128xf32>, vector<1x128xf32> -> vector<16x128xf32>
    %convert_element_type3A_370 = arith.fptosi %concatenate3A_369 : vector<16x128xf32> to vector<16x128xi32>
    %swap3A_371 = arith.constant 0 : index
    %swap3A_372 = arith.constant 0 : index
    %swap3A_373 = vector.load %arg4[%swap3A_371, %swap3A_372] : memref<16x128xi32, #tpu.memory_space<vmem>>, vector<16x128xi32>
    tpu.vector_store %arg4[%swap3A_371, %swap3A_372], %convert_element_type3A_370 {strides = array<i32>} : memref<16x128xi32, #tpu.memory_space<vmem>>, vector<16x128xi32>,
    %iota3A_374 = tpu.iota {dimensions = array<i32: 0>} : vector<16x8xi32>
    %mul3A_375 = arith.constant 256 : i32
    %mul3A_376 = vector.broadcast %mul3A_375 : i32 to vector<16x8xi32>
    %mul3A_377 = arith.muli %iota3A_374, %mul3A_376 : vector<16x8xi32>
    %convert_element_type3A_378 = arith.sitofp %mul3A_377 : vector<16x8xi32> to vector<16x8xf32>
    %broadcast_in_dim3A_379 = vector.shape_cast %add3A_85 : vector<1x8xf32> to vector<1x8xf32>
    %broadcast_in_dim3A_380 = vector.broadcast %broadcast_in_dim3A_379 : vector<1x8xf32> to vector<16x8xf32>
    %le3A = arith.cmpf ole, %broadcast_in_dim3A_380, %convert_element_type3A_378 : vector<16x8xf32>
    %convert_element_type3A_381 = arith.extui %le3A : vector<16x8xi1> to vector<16x8xi32>
    %convert_element_type3A_382 = arith.sitofp %convert_element_type3A_381 : vector<16x8xi32> to vector<16x8xf32>
    %reduce_sum3A_383 = arith.constant dense<0.000000e+00> : vector<16xf32>
    %reduce_sum3A_384 = vector.multi_reduction <add>, %convert_element_type3A_382, %reduce_sum3A_383 [1] : vector<16x8xf32> to vector<16xf32>
    %broadcast_in_dim3A_385 = vector.shape_cast %reduce_sum3A_384 : vector<16xf32> to vector<16x1xf32>
    %convert_element_type3A_386 = arith.fptosi %broadcast_in_dim3A_385 : vector<16x1xf32> to vector<16x1xi32>
    %min3A = arith.constant 7 : i32
    %min3A_387 = vector.broadcast %min3A : i32 to vector<16x1xi32>
    %min3A_388 = arith.minsi %convert_element_type3A_386, %min3A_387 : vector<16x1xi32>
    %swap3A_389 = arith.constant 0 : index
    %swap3A_390 = arith.constant 0 : index
    %swap3A_391 = vector.load %arg5[%swap3A_389, %swap3A_390] : memref<16x1xi32, #tpu.memory_space<vmem>>, vector<16x1xi32>
    tpu.vector_store %arg5[%swap3A_389, %swap3A_390], %min3A_388 {strides = array<i32>} : memref<16x1xi32, #tpu.memory_space<vmem>>, vector<16x1xi32>,
    %reduce_sum3A_392 = arith.constant dense<0.000000e+00> : vector<1xf32>
    %reduce_sum3A_393 = vector.multi_reduction <add>, %convert_element_type3A_78, %reduce_sum3A_392 [1] : vector<1x8xf32> to vector<1xf32>
    %broadcast_in_dim3A_394 = vector.shape_cast %reduce_sum3A_393 : vector<1xf32> to vector<1x1xf32>
    %slice3A_395 = vector.extract_strided_slice %convert_element_type3A_378 {offsets = [0, 0], sizes = [16, 1], strides = [1, 1]} : vector<16x8xf32> to vector<16x1xf32>
    %lt3A_396 = vector.broadcast %broadcast_in_dim3A_394 : vector<1x1xf32> to vector<16x1xf32>
    %lt3A_397 = arith.cmpf olt, %slice3A_395, %lt3A_396 : vector<16x1xf32>
    %convert_element_type3A_398 = arith.extui %lt3A_397 : vector<16x1xi1> to vector<16x1xi32>
    %swap3A_399 = arith.constant 0 : index
    %swap3A_400 = arith.constant 0 : index
    %swap3A_401 = vector.load %arg6[%swap3A_399, %swap3A_400] : memref<16x1xi32, #tpu.memory_space<vmem>>, vector<16x1xi32>
    tpu.vector_store %arg6[%swap3A_399, %swap3A_400], %convert_element_type3A_398 {strides = array<i32>} : memref<16x1xi32, #tpu.memory_space<vmem>>, vector<16x1xi32>,
    return
  }
}

</mosaic_0001>

<sc_bundles>
// kernel: kernel.6.cloned.1.call-start
scs
__scs_entry_jumppad:
0x0: {  	(pc) =	sbr.rel $0x88, $3  }
0x1: {  	(tag) =	ssettag $0x0;
	lr =	simm.s32 $0x1  }
0x2: {  	[smem:$0x3F99] =	sst lr;
	_ =	strace $0xD0000000  }
0x3: {  	_ = 	snop  }
0x4: {  	_ = 	snop  }
0x5: {  	_ = 	snop  }
0x6: {  	_ = 	snop  }
0x7: {  	_ = 	snop  }
__scs_overlays_trampoline_lowered:
0x8: {  	[smem:$0x3FA8] =	sst s0  }
0x9: {  	[smem:$0x3FA9] =	sst s1  }
0xa: {  	[smem:$0x3FAA] =	sst s2  }
0xb: {  	[smem:$0x3FAB] =	sst s3  }
0xc: {  	[smem:$0x3FAC] =	sst s4  }
0xd: {  	[smem:$0x3FAD] =	sst s5  }
0xe: {  	[smem:$0x3FAE] =	sst s6  }
0xf: {  	[smem:$0x3FAF] =	sst s7  }
0x10: {  	[smem:$0x3FB0] =	sst s8  }
0x11: {  	[smem:$0x3FB1] =	sst s9;
	s0 =	simm.s32 @!p0 $0x0  }
0x12: {  	s1 =	sld [smem:$0x3F97];
	s0 =	simm.s32 @p0 $0x1  }
0x13: {  	[smem:$0x3FB2] =	sst s0;
	s0 =	simm.s32 @!p1 $0x0  }
0x14: {  	s2 =	sld [smem:$0x3F96];
	s0 =	simm.s32 @p1 $0x1  }
0x15: {  	[smem:$0x3FB3] =	sst s0;
	s0 =	simm.s32 @!p2 $0x0  }
0x16: {  	s3 =	sld [smem:$0x3FDB];
	s0 =	simm.s32 @p2 $0x1  }
0x17: {  	s4 =	simm.s32 $0x1BF5;
	[smem:$0x3FB5] =	sst s0  }
0x18: {  	s0 =	sld [smem:$0x3F98];
	_ =	swait.ge [sflag:s4], $0x0  }
0x19: {  	s7 =	sld [smem:$0x3F99]  }
0x1a: {  	s8 =	sadd.s32 $0xFFFFE003, lr  }
0x1b: {  	s9 =	sadd.s32 $0xFFFFFEF7, lr;
	s5 =	simm.s32 $0xFFFFFFFF;
	p2 =	slt.u32 s8, $0xFFFFF086  }
0x1c: {  	p1 =	slt.u32 s9, $0xF7A;
	s5 =	simm.s32 @!p2 $0x0  }
0x1d: {  	s5 =	simm.s32 @p1 $0x1;
	p0 =	seq.s32 s7, s2  }
0x1e: {  	s7 =	smul.u32 @!p0 $0xF7A, s2;
	p2 =	seq.s32 @!p0 s5, $0x0  }
0x1f: {  	s9 =	smul.u32 $0xF7A, s1;
	s8 =	simm.s32 @!p0 $0x1BF5;
	p2 =	por !p2, p0  }
0x20: {  	[sflag:s8] =	ssyncset.s32 @!p0 $0xFFFFF086;
	s6 =	sadd.s32 @!p0 s3, s7;
	s7 =	simm.s32 @!p0 $0x108  }
0x21: {  	s3 =	sadd.s32 s3, s9;
	s6 =	sadd.s32 @!p0 $0x88, s6;
	s7 =	simm.s32 @p2 $0x1082  }
0x22: {  	[simem:s7], [sflag:s8] =	dma.local @!p0 [hbm:s6], $0xF7A  }
0x23: {  	s9 =	sor.u32 $0xD0000000, s2;
	s6 =	simm.s32 $0x108;
	_ =	swait.ge @!p0 [sflag:s8], $0x0  }
0x24: {  	s3 =	sadd.s32 $0x88, s3;
	s6 =	simm.s32 @!p1 $0x1082;
	[sflag:s4] =	ssyncset.s32 $0xFFFFF086  }
0x25: {  	[simem:s6], [sflag:s4] =	dma.local [hbm:s3], $0xF7A  }
0x26: {  	[smem:$0x3F99] =	sst s1;
	(tag) =	ssettag s2;
	_ =	strace s9  }
0x27: {  	s1 =	sld [smem:$0x3FA9]  }
0x28: {  	s2 =	sld [smem:$0x3FAA]  }
0x29: {  	s4 =	sld [smem:$0x3FAC]  }
0x2a: {  	p0 =	seq.s32 s5, $0x0;
	s5 =	sld [smem:$0x3FAD]  }
0x2b: {  	s6 =	sld [smem:$0x3FAE]  }
0x2c: {  	s7 =	sld [smem:$0x3FAF]  }
0x2d: {  	s3 =	simm.s32 $0x108;
	s8 =	sld [smem:$0x3FB0]  }
0x2e: {  	s3 =	simm.s32 @!p0 $0x1082;
	s9 =	sld [smem:$0x3FB1]  }
0x2f: {  	lr =	sadd.s32 s0, s3;
	s0 =	sld [smem:$0x3FA8]  }
0x30: {  	s3 =	sld [smem:$0x3FAB]  }
0x31: {  	[smem:$0x3FB4] =	sst s10  }
0x32: {  	s10 =	sld [smem:$0x3FB2];
	_ =	sdelay $0x3  }
0x33: {  	p0 =	seq.s32 s10, $0x1;
	s10 =	sld [smem:$0x3FB4];
	_ =	sdelay $0x3  }
0x34: {  	[smem:$0x3FB4] =	sst s10  }
0x35: {  	s10 =	sld [smem:$0x3FB3];
	_ =	sdelay $0x3  }
0x36: {  	p1 =	seq.s32 s10, $0x1;
	s10 =	sld [smem:$0x3FB4];
	_ =	sdelay $0x3  }
0x37: {  	[smem:$0x3FB4] =	sst s10  }
0x38: {  	s10 =	sld [smem:$0x3FB5]  }
0x39: {  	_ = 	snop;
	(pc) =	sbr.ind lr, $3  }
0x3a: {  	_ = 	snop  }
0x3b: {  	_ = 	snop  }
0x3c: {  	p2 =	seq.s32 s10, $0x1;
	s10 =	sld [smem:$0x3FB4]  }
0x3d: {  	_ =	shalt  }
0x3e: {  	_ =	shalt  }
0x3f: {  	_ =	shalt  }
0x40: {  	_ =	shalt  }
0x41: {  	_ =	shalt  }
0x42: {  	_ =	shalt  }
0x43: {  	_ =	shalt  }
0x44: {  	_ =	shalt  }
0x45: {  	_ =	shalt  }
0x46: {  	_ =	shalt  }
0x47: {  	_ =	shalt  }
0x48: {  	_ =	shalt  }
0x49: {  	_ =	shalt  }
0x4a: {  	_ =	shalt  }
0x4b: {  	_ =	shalt  }
0x4c: {  	_ =	shalt  }
0x4d: {  	_ =	shalt  }
0x4e: {  	_ =	shalt  }
0x4f: {  	_ =	shalt  }
0x50: {  	_ =	shalt  }
0x51: {  	_ =	shalt  }
0x52: {  	_ =	shalt  }
0x53: {  	_ =	shalt  }
0x54: {  	_ =	shalt  }
0x55: {  	_ =	shalt  }
0x56: {  	_ =	shalt  }
0x57: {  	_ =	shalt  }
0x58: {  	_ =	shalt  }
0x59: {  	_ =	shalt  }
0x5a: {  	_ =	shalt  }
0x5b: {  	_ =	shalt  }
0x5c: {  	_ =	shalt  }
0x5d: {  	_ =	shalt  }
0x5e: {  	_ =	shalt  }
0x5f: {  	_ =	shalt  }
0x60: {  	_ =	shalt  }
0x61: {  	_ =	shalt  }
0x62: {  	_ =	shalt  }
0x63: {  	_ =	shalt  }
0x64: {  	_ =	shalt  }
0x65: {  	_ =	shalt  }
0x66: {  	_ =	shalt  }
0x67: {  	_ =	shalt  }
0x68: {  	_ =	shalt  }
0x69: {  	_ =	shalt  }
0x6a: {  	_ =	shalt  }
0x6b: {  	_ =	shalt  }
0x6c: {  	_ =	shalt  }
0x6d: {  	_ =	shalt  }
0x6e: {  	_ =	shalt  }
0x6f: {  	_ =	shalt  }
0x70: {  	_ =	shalt  }
0x71: {  	_ =	shalt  }
0x72: {  	_ =	shalt  }
0x73: {  	_ =	shalt  }
0x74: {  	_ =	shalt  }
0x75: {  	_ =	shalt  }
0x76: {  	_ =	shalt  }
0x77: {  	_ =	shalt  }
0x78: {  	_ =	shalt  }
0x79: {  	_ =	shalt  }
0x7a: {  	_ =	shalt  }
0x7b: {  	_ =	shalt  }
0x7c: {  	_ =	shalt  }
0x7d: {  	_ =	shalt  }
0x7e: {  	_ =	shalt  }
0x7f: {  	_ =	shalt  }
0x80: {  	_ =	shalt  }
0x81: {  	_ =	shalt  }
0x82: {  	_ =	shalt  }
0x83: {  	_ =	shalt  }
0x84: {  	_ =	shalt  }
0x85: {  	_ =	shalt  }
0x86: {  	_ =	shalt  }
0x87: {  	_ =	shalt  }
.Lfunc_end0:
.L_simem_size_0:
called_computation_lowered:
.L_overlay_start_0:
0x88: {  	s2 =	sld [smem:$0x3FD9]  }
0x89: {  	s3 =	sld [smem:$0x3FFE];
	_ =	sdelay $0x1  }
0x8a: {  	s1 =	srdreg.scid  }
0x8b: {  	s0 =	sand.u32 $0x1, s1  }
0x8c: {  	s17 =	sshll.u32 s0, $0xA;
	s2 =	sadd.s32 s3, s2  }
0x8d: {  	s2 =	sadd.s32 s2, s17  }
0x8e: {  	[smem:$0x3FC0] =	sst s2  }
0x8f: {  	_ = 	snop  }
0x90: {  	s2 =	sld [smem:$0x3FC9];
	(tm) =	ssettm $0x1  }
0x91: {  	s18 =	sld [smem:$0x3FFB];
	_ =	sdelay $0x3  }
0x92: {  	_ =	strace s18  }
0x93: {  	s3 =	sld [smem:$0x3FFC];
	_ =	sdelay $0x3  }
0x94: {  	_ =	strace s3  }
0x95: {  	s3 =	sld [smem:$0x3FFD];
	_ =	sdelay $0x3  }
0x96: {  	_ =	strace s3  }
0x97: {  	_ =	strace $0x8FFFFFFF  }
0x98: {  	s19 =	sld [smem:$0x3FDB];
	_ =	sdelay $0x1  }
0x99: {  	s4 =	simm.s32 $_scs_section_size  }
0x9a: {  	s5 =	simm.s32 $_size__tile_overlayer_lowered;
	s6 =	simm.s32 $_tile_overlayer_lowered  }
0x9b: {  	s22 =	simm.s32 $0x1BFF;
	s21 =	sshll.u32 s6, $0x1;
	s3 =	sadd.s32 s4, s19  }
0x9c: {  	s7 =	simm.s32 $0x0;
	s20 =	sshll.u32 s5, $0x1;
	s5 =	sadd.s32 s21, s3  }
0x9d: {  	[timem:s7], [sflag:s22] =	dma.local [hbm:s5], s20  }
0x9e: {  	_ =	swait.ge [sflag:s22], s20  }
0x9f: {  	s4 =	ssub.s32 $0x0, s20;
	[sflag:s22] =	ssyncset.done $0x0  }
0xa0: {  	[sflag:s22] =	ssyncadd.s32 s4;
	_ =	sdelay $0x1  }
0xa1: {  	s23 =	simm.s32 $0x1B8B  }
0xa2: {  	_ =	swait.ge [sflag:s23], $0x1  }
0xa3: {  	[sflag:s23] =	ssyncset.done $0x0  }
0xa4: {  	s25 =	simm.s32 $0x1B8E;
	s24 =	sld [smem:$0x3FFE];
	[sflag:s23] =	ssyncadd.s32 $0xFFFFFFFF  }
0xa5: {  	s26 =	simm.s32 $execute0_lowered;
	[smem:$0x3FD2] =	sst s25  }
0xa6: {  	s5 =	sshll.u32 s26, $0x1;
	_ =	strace $0x80000046;
	[dreg:$0x1] =	wrdreg $0xFFFFFFFF  }
0xa7: {  	s28 =	simm.s32 $_size_execute0_lowered;
	s3 =	sadd.s32 s3, s5;
	[dreg:$0x0] =	wrdreg $0x0  }
0xa8: {  	s5 =	sshll.u32 s28, $0x1;
	[dreg:$0x2] =	wrdreg s3  }
0xa9: {  	[dreg:$0x3] =	wrdreg s5  }
0xaa: {  	[dreg:$0x4] =	wrdreg $0xC0  }
0xab: {  	_ =	task [dreg:s7], $0x5FFFF  }
0xac: {  	[dreg:$0x1] =	wrdreg $0xFFFFFFFF  }
0xad: {  	[dreg:$0x0] =	wrdreg $0x60  }
0xae: {  	[dreg:$0x2] =	wrdreg s2  }
0xaf: {  	[dreg:$0x3] =	wrdreg s24  }
0xb0: {  	[dreg:$0x4] =	wrdreg $0x9  }
0xb1: {  	_ =	task.clear_ibuf [dreg:s7], $0x5FFFF;
	_ =	strace $0x90000046  }
0xb2: {  	s29 =	simm.s32 $0x9;
	_ =	strace $0x80000048  }
0xb3: {  	_ =	swait.ge [sflag:s29], $0x1  }
0xb4: {  	[sflag:s29] =	ssyncadd.s32 $0xFFFFFFFF  }
0xb5: {  	_ =	strace $0x90000048  }
0xb6: {  	_ =	sfence  }
0xb7: {  	s30 =	sld [smem:$0x0];
	_ =	sdelay $0x2  }
0xb8: {  	s31 =	sshll.u32 s1, $0xD;
	s1 =	sshrl.u32 s1, $0x2  }
0xb9: {  	s3 =	sand.u32 $0x4000, s31;
	s1 =	sadd.s32 s1, s30  }
0xba: {  	s0 =	sor.u32 s3, s0;
	s1 =	sshll.u32 s1, $0x11  }
0xbb: {  	s0 =	sor.u32 s1, s0  }
0xbc: {  	s0 =	sadd.s32 $0x8F2B, s0  }
0xbd: {  	[sflag:s0] =	ssyncadd.remote.s32 $0x1  }
0xbe: {  	_ =	sfence.sel $0xFFFF  }
0xbf: {  	[dreg:$0x0] =	wrdreg $0xFFFFFFFF;
	(pc) =	sbr.abs _section_cstart, $3  }
0xc0: {  	[dreg:$0x1] =	wrdreg $0xFFFFFFFF  }
0xc1: {  	_ =	task.clear_ibuf [dreg:s7], $0x2FFFF;
	_ =	strace $0x9FFFFFFF  }
0xc2: {  	(tm) =	ssettm $0x7FFFFFFF  }
0xc3: {  	_ =	shalt  }
tec
execute0_lowered:
.L_overlay_start_1:
0x0: {  	(tag) =	ssettag $0x1  }
0x1: {  	s0 =	rddreg [dreg:$0x0]  }
0x2: {  	s5 =	rddreg [dreg:$0x1];
	s2 =	srdreg.scid  }
0x3: {  	s1 =	stileid.u32;
	s25 =	simm.s32 $0x880;
	s26 =	simm.s32 $0x1080  }
0x4: {  	s10 =	simm.s32 $0x1;
	s12 =	simm.s32 $0x2080;
	s13 =	simm.s32 $0x2880  }
0x5: {  	s14 =	simm.s32 $0x3080;
	s15 =	simm.s32 $0x3880;
	s16 =	simm.s32 $0x4080  }
0x6: {  	s17 =	simm.s32 $0x4880;
	s18 =	simm.s32 $0x5080;
	s19 =	simm.s32 $0x5880  }
0x7: {  	s20 =	simm.s32 $0x2;
	s21 =	simm.s32 $0x6880;
	s22 =	simm.s32 $0x7080  }
0x8: {  	s23 =	simm.s32 $0x7880;
	s28 =	simm.s32 $0x9880;
	s29 =	simm.s32 $0xA080  }
0x9: {  	s30 =	simm.s32 $0xA880;
	s31 =	simm.s32 $0xB080;
	s4 =	sand.u32 $0x1, s2  }
0xa: {  	s2 =	simm.s32 $0x0;
	s3 =	sshll.u32 s1, $0x4;
	s6 =	sshll.u32 s4, $0x3  }
0xb: {  	[smem:$0x7FF] =	sst s2;
	s4 =	ssub.s32 $0x2, s4;
	s6 =	sor.u32 s6, s3  }
0xc: {  	_ =	strace $0x80000047;
	s3 =	sadd.s32 $0x1A00, s5;
	[dreg:$0x6] =	wrdreg s25  }
0xd: {  	s9 =	sshrl.u32 s4, $0x1;
	[dreg:$0x7] =	wrdreg s26;
	s25 =	simm.s32 $0x8880  }
0xe: {  	s26 =	simm.s32 $0x9080;
	s7 =	sadd.s32 s6, s5;
	s8 =	smul.u32 $0x1800, s6  }
0xf: {  	s6 =	smul.u32 $0x300, s6;
	s24 =	ssub.s32 s4, s9;
	s4 =	sadd.s32 $0x1B00, s5  }
0x10: {  	s5 =	sadd.s32 $0x1C00, s5;
	s9 =	simm.s32 $0x6080;
	s7 =	sadd.s32 $0x1800, s7  }
0x11: {  	s8 =	sshrl.u32 s8, $0x3;
	[dreg:$0x3] =	wrdreg s7;
	s6 =	sadd.s32 s0, s6  }
0x12: {  	v2 =	vlaneseq.u32;
	s7 =	simm.s32 $0x3;
	s0 =	sadd.s32 s0, s8;
	[dreg:$0x4] =	wrdreg s6  }
0x13: {  	vm0 =	vmmov $0xffff;
	v1 =	vshrl.u32 v2, $0x3;
	s6 =	smax.u32 s24, $0x1;
	s8 =	simm.s32 $0x80;
	s0 =	sadd.s32 $0xC00, s0  }
0x14: {  	v0 =	vand.u32 $0x7, v2;
	v2 =	vor.u32 $0x8, v2;
	v1 =	vmul.u32 $0x8, v1;
	s24 =	simm.s32 $0x8080;
	[dreg:$0x5] =	wrdreg s0;
	s0 =	simm.s32 $0xB880  }
.LBB2_1:
0x15: {  	s1 =	rddreg [dreg:$0x3]  }
0x16: {  	[tilespmem:s2], [sflag:$0x3] =	stream.linear.gather [hbm4b:s1+s2], $0x40, $0x38;
	[tilespmem:$0xC080] =	vst v63  }
0x17: {  	_ =	swait.ge [sflag:s7], $0x40  }
0x18: {  	[sflag:s7] =	ssyncset.done $0x0  }
0x19: {  	s1 =	rddreg [dreg:$0x4];
	[sflag:s7] =	ssyncadd.s32 $0xFFFFFFC0  }
0x1a: {  	[tilespmem:s8], [sflag:$0x1] =	stream.linear.gather [hbm4b:s1+s2], $0x6000, $0x38;
	[tilespmem:$0xC080] =	vst v63  }
0x1b: {  	s11 =	rddreg [dreg:$0x5]  }
0x1c: {  	[tilespmem:s9], [sflag:$0x2] =	stream.linear.gather [hbm4b:s11+s2], $0x6000, $0x38;
	[tilespmem:$0xC080] =	vst v63  }
0x1d: {  	_ =	swait.ge [sflag:s10], $0x6000  }
0x1e: {  	[sflag:s10] =	ssyncset.done $0x0  }
0x1f: {  	[sflag:s10] =	ssyncadd.s32 $0xFFFFA000  }
0x20: {  	v3 =	vld [tilespmem:$0x0];
	_ =	sdelay $0x4  }
0x21: {  	v4 =	vshrl.u32 v3, $0x3  }
0x22: {  	v4 =	vmul.u32 $0x30, v4  }
0x23: {  	v3 =	vand.u32 $0x7, v3  }
0x24: {  	v3 =	vor.u32 v3, v4  }
0x25: {  	v4 =	vperm.xlane v3, v0;
	_ =	sdelay $0x1  }
0x26: {  	v4 =	vadd.s32 v1, v4;
	_ =	sdelay $0x3  }
0x27: {  	v3 =	vperm.xlane v3, v2  }
0x28: {  	[hbm4b:s3+s2] =	stream.indirect_vreg.scatter [tilespmem:s8], [sflag:$0x1], $0x80, v4, vm0, $0xb8;
	[tilespmem:$0xC080] =	vst v63  }
0x29: {  	s1 =	rddreg [dreg:$0x6];
	v3 =	vadd.s32 v1, v3  }
0x2a: {  	[hbm4b:s4+s2] =	stream.indirect_vreg.scatter [tilespmem:s1], [sflag:$0x1], $0x80, v4, vm0, $0xb8;
	[tilespmem:$0xC080] =	vst v63  }
0x2b: {  	s11 =	rddreg [dreg:$0x7]  }
0x2c: {  	[hbm4b:s5+s2] =	stream.indirect_vreg.scatter [tilespmem:s11], [sflag:$0x1], $0x80, v4, vm0, $0xb8;
	[tilespmem:$0xC080] =	vst v63  }
0x2d: {  	s11 =	simm.s32 $0x1880  }
0x2e: {  	[hbm4b:s3+s2] =	stream.indirect_vreg.scatter [tilespmem:s11], [sflag:$0x1], $0x80, v3, vm0, $0xb8;
	[tilespmem:$0xC080] =	vst v63  }
0x2f: {  	_ = 	snop  }
0x30: {  	[hbm4b:s4+s2] =	stream.indirect_vreg.scatter [tilespmem:s12], [sflag:$0x1], $0x80, v3, vm0, $0xb8;
	[tilespmem:$0xC080] =	vst v63  }
0x31: {  	_ = 	snop  }
0x32: {  	[hbm4b:s5+s2] =	stream.indirect_vreg.scatter [tilespmem:s13], [sflag:$0x1], $0x80, v3, vm0, $0xb8;
	[tilespmem:$0xC080] =	vst v63  }
0x33: {  	v3 =	vld [tilespmem:$0x10];
	_ =	sdelay $0x4  }
0x34: {  	v61 =	vshrl.u32 v3, $0x3  }
0x35: {  	v4 =	vmul.u32 $0x30, v61  }
0x36: {  	v3 =	vand.u32 $0x7, v3  }
0x37: {  	v3 =	vor.u32 v3, v4  }
0x38: {  	v4 =	vperm.xlane v3, v0;
	_ =	sdelay $0x1  }
0x39: {  	v4 =	vadd.s32 v1, v4;
	_ =	sdelay $0x3  }
0x3a: {  	v3 =	vperm.xlane v3, v2  }
0x3b: {  	[hbm4b:s3+s2] =	stream.indirect_vreg.scatter [tilespmem:s14], [sflag:$0x1], $0x80, v4, vm0, $0xb8;
	[tilespmem:$0xC080] =	vst v63  }
0x3c: {  	v3 =	vadd.s32 v1, v3  }
0x3d: {  	[hbm4b:s4+s2] =	stream.indirect_vreg.scatter [tilespmem:s15], [sflag:$0x1], $0x80, v4, vm0, $0xb8;
	[tilespmem:$0xC080] =	vst v63  }
0x3e: {  	_ = 	snop  }
0x3f: {  	[hbm4b:s5+s2] =	stream.indirect_vreg.scatter [tilespmem:s16], [sflag:$0x1], $0x80, v4, vm0, $0xb8;
	[tilespmem:$0xC080] =	vst v63  }
0x40: {  	_ = 	snop  }
0x41: {  	[hbm4b:s3+s2] =	stream.indirect_vreg.scatter [tilespmem:s17], [sflag:$0x1], $0x80, v3, vm0, $0xb8;
	[tilespmem:$0xC080] =	vst v63  }
0x42: {  	_ = 	snop  }
0x43: {  	[hbm4b:s4+s2] =	stream.indirect_vreg.scatter [tilespmem:s18], [sflag:$0x1], $0x80, v3, vm0, $0xb8;
	[tilespmem:$0xC080] =	vst v63  }
0x44: {  	_ = 	snop  }
0x45: {  	[hbm4b:s5+s2] =	stream.indirect_vreg.scatter [tilespmem:s19], [sflag:$0x1], $0x80, v3, vm0, $0xb8;
	[tilespmem:$0xC080] =	vst v63  }
0x46: {  	_ =	swait.ge [sflag:s20], $0x6000  }
0x47: {  	[sflag:s20] =	ssyncset.done $0x0  }
0x48: {  	[sflag:s20] =	ssyncadd.s32 $0xFFFFA000  }
0x49: {  	v3 =	vld [tilespmem:$0x20];
	_ =	sdelay $0x4  }
0x4a: {  	v62 =	vshrl.u32 v3, $0x3  }
0x4b: {  	v4 =	vmul.u32 $0x30, v62  }
0x4c: {  	v3 =	vand.u32 $0x7, v3  }
0x4d: {  	v3 =	vor.u32 v3, v4  }
0x4e: {  	v4 =	vperm.xlane v3, v0;
	_ =	sdelay $0x1  }
0x4f: {  	v4 =	vadd.s32 v1, v4;
	_ =	sdelay $0x3  }
0x50: {  	v3 =	vperm.xlane v3, v2  }
0x51: {  	[hbm4b:s3+s2] =	stream.indirect_vreg.scatter [tilespmem:s9], [sflag:$0x2], $0x80, v4, vm0, $0xb8;
	[tilespmem:$0xC080] =	vst v63  }
0x52: {  	v3 =	vadd.s32 v1, v3  }
0x53: {  	[hbm4b:s4+s2] =	stream.indirect_vreg.scatter [tilespmem:s21], [sflag:$0x2], $0x80, v4, vm0, $0xb8;
	[tilespmem:$0xC080] =	vst v63  }
0x54: {  	_ = 	snop  }
0x55: {  	[hbm4b:s5+s2] =	stream.indirect_vreg.scatter [tilespmem:s22], [sflag:$0x2], $0x80, v4, vm0, $0xb8;
	[tilespmem:$0xC080] =	vst v63  }
0x56: {  	_ = 	snop  }
0x57: {  	[hbm4b:s3+s2] =	stream.indirect_vreg.scatter [tilespmem:s23], [sflag:$0x2], $0x80, v3, vm0, $0xb8;
	[tilespmem:$0xC080] =	vst v63  }
0x58: {  	_ = 	snop  }
0x59: {  	[hbm4b:s4+s2] =	stream.indirect_vreg.scatter [tilespmem:s24], [sflag:$0x2], $0x80, v3, vm0, $0xb8;
	[tilespmem:$0xC080] =	vst v63  }
0x5a: {  	_ = 	snop  }
0x5b: {  	[hbm4b:s5+s2] =	stream.indirect_vreg.scatter [tilespmem:s25], [sflag:$0x2], $0x80, v3, vm0, $0xb8;
	[tilespmem:$0xC080] =	vst v63  }
0x5c: {  	v3 =	vld [tilespmem:$0x30];
	_ =	sdelay $0x4  }
0x5d: {  	v63 =	vshrl.u32 v3, $0x3  }
0x5e: {  	v4 =	vmul.u32 $0x30, v63  }
0x5f: {  	v3 =	vand.u32 $0x7, v3  }
0x60: {  	v3 =	vor.u32 v3, v4  }
0x61: {  	v4 =	vperm.xlane v3, v0;
	_ =	sdelay $0x1  }
0x62: {  	v4 =	vadd.s32 v1, v4;
	_ =	sdelay $0x3  }
0x63: {  	v3 =	vperm.xlane v3, v2  }
0x64: {  	[hbm4b:s3+s2] =	stream.indirect_vreg.scatter [tilespmem:s26], [sflag:$0x2], $0x80, v4, vm0, $0xb8;
	[tilespmem:$0xC080] =	vst v63  }
0x65: {  	v3 =	vadd.s32 v1, v3  }
0x66: {  	[hbm4b:s4+s2] =	stream.indirect_vreg.scatter [tilespmem:s28], [sflag:$0x2], $0x80, v4, vm0, $0xb8;
	[tilespmem:$0xC080] =	vst v63  }
0x67: {  	_ = 	snop  }
0x68: {  	[hbm4b:s5+s2] =	stream.indirect_vreg.scatter [tilespmem:s29], [sflag:$0x2], $0x80, v4, vm0, $0xb8;
	[tilespmem:$0xC080] =	vst v63  }
0x69: {  	_ = 	snop  }
0x6a: {  	[hbm4b:s3+s2] =	stream.indirect_vreg.scatter [tilespmem:s30], [sflag:$0x2], $0x80, v3, vm0, $0xb8;
	[tilespmem:$0xC080] =	vst v63  }
0x6b: {  	_ = 	snop  }
0x6c: {  	[hbm4b:s4+s2] =	stream.indirect_vreg.scatter [tilespmem:s31], [sflag:$0x2], $0x80, v3, vm0, $0xb8;
	[tilespmem:$0xC080] =	vst v63  }
0x6d: {  	_ = 	snop  }
0x6e: {  	[hbm4b:s5+s2] =	stream.indirect_vreg.scatter [tilespmem:s0], [sflag:$0x2], $0x80, v3, vm0, $0xb8;
	[tilespmem:$0xC080] =	vst v63  }
0x6f: {  	p0 =	sne.s32 s6, $0x1;
	_ =	swait.ge [sflag:s10], $0x6000  }
.Ltmp0:
0x70: {  	[sflag:s10] =	ssyncset.done $0x0;
	(pc) =	sbr.rel @p0 .LBB2_1-.Ltmp0, $4  }
0x71: {  	[sflag:s10] =	ssyncadd.s32 $0xFFFFA000  }
0x72: {  	_ =	swait.ge [sflag:s20], $0x6000  }
0x73: {  	[sflag:s20] =	ssyncset.done $0x0  }
0x74: {  	s6 =	sadd.s32 $0xFFFFFFFF, s6;
	[sflag:s20] =	ssyncadd.s32 $0xFFFFA000  }
0x75: {  	_ =	sfence.sel $0x180000  }
0x76: {  	[bflag:$0x0] =	sbarrier.arrive $0xFFFF  }
0x77: {  	_ =	strace $0x90000047  }
0x78: {  	s0 =	stileid.u32;
	[bflag:$0x2] =	sbarrier.arrive $0xFFFF  }
0x79: {  	p0 =	sne.s32 s0, $0x0;
	s0 =	rddreg [dreg:$0x2]  }
0x7a: {  	s0 =	sadd.s32 @!p0 $0x100000, s0  }
0x7b: {  	[sflag:s0] =	ssyncadd.tile.s32 @!p0 $0x1;
	_ =	shalt  }
.Lfunc_end2:
_tile_overlayer_lowered:
.L_overlay_start_2:
0x7c: {  	(tag) =	ssettag $0x2  }
0x7d: {  	s0 =	rddreg [dreg:$0x0];
	s2 =	stileid.u32  }
0x7e: {  	s1 =	rddreg [dreg:$0x1];
	p0 =	sne.s32 s2, $0x0  }
0x7f: {  	s3 =	rddreg [dreg:$0x2];
	[bflag:$0x3] =	sbarrier.arrive $0xFFFF;
	s2 =	simm.s32 @!p0 $0x1C03  }
0x80: {  	[timem:s3], [sflag:s2] =	dma.local @!p0 [hbm:s0], s1  }
0x81: {  	s0 =	simm.s32 @!p0 $0x3  }
0x82: {  	_ =	swait.ge @!p0 [sflag:s0], s1  }
0x83: {  	s1 =	ssub.s32 @!p0 $0x0, s1;
	[sflag:s0] =	ssyncset.done @!p0 $0x0  }
0x84: {  	[sflag:s0] =	ssyncadd.s32 @!p0 s1  }
0x85: {  	[bflag:$0x3] =	sbarrier.arrive $0xFFFF  }
0x86: {  	_ =	shalt  }

// kernel: kernel.9.cloned.1.call-start
scs
__scs_entry_jumppad:
0x0: {  	(pc) =	sbr.rel $0x88, $3  }
0x1: {  	(tag) =	ssettag $0x0;
	lr =	simm.s32 $0x1  }
0x2: {  	[smem:$0x3F99] =	sst lr;
	_ =	strace $0xD0000000  }
0x3: {  	_ = 	snop  }
0x4: {  	_ = 	snop  }
0x5: {  	_ = 	snop  }
0x6: {  	_ = 	snop  }
0x7: {  	_ = 	snop  }
__scs_overlays_trampoline_lowered:
0x8: {  	[smem:$0x3FA8] =	sst s0  }
0x9: {  	[smem:$0x3FA9] =	sst s1  }
0xa: {  	[smem:$0x3FAA] =	sst s2  }
0xb: {  	[smem:$0x3FAB] =	sst s3  }
0xc: {  	[smem:$0x3FAC] =	sst s4  }
0xd: {  	[smem:$0x3FAD] =	sst s5  }
0xe: {  	[smem:$0x3FAE] =	sst s6  }
0xf: {  	[smem:$0x3FAF] =	sst s7  }
0x10: {  	[smem:$0x3FB0] =	sst s8  }
0x11: {  	[smem:$0x3FB1] =	sst s9;
	s0 =	simm.s32 @!p0 $0x0  }
0x12: {  	s1 =	sld [smem:$0x3F97];
	s0 =	simm.s32 @p0 $0x1  }
0x13: {  	[smem:$0x3FB2] =	sst s0;
	s0 =	simm.s32 @!p1 $0x0  }
0x14: {  	s2 =	sld [smem:$0x3F96];
	s0 =	simm.s32 @p1 $0x1  }
0x15: {  	[smem:$0x3FB3] =	sst s0;
	s0 =	simm.s32 @!p2 $0x0  }
0x16: {  	s3 =	sld [smem:$0x3FDB];
	s0 =	simm.s32 @p2 $0x1  }
0x17: {  	s4 =	simm.s32 $0x1BF5;
	[smem:$0x3FB5] =	sst s0  }
0x18: {  	s0 =	sld [smem:$0x3F98];
	_ =	swait.ge [sflag:s4], $0x0  }
0x19: {  	s7 =	sld [smem:$0x3F99]  }
0x1a: {  	s8 =	sadd.s32 $0xFFFFE003, lr  }
0x1b: {  	s9 =	sadd.s32 $0xFFFFFEF7, lr;
	s5 =	simm.s32 $0xFFFFFFFF;
	p2 =	slt.u32 s8, $0xFFFFF086  }
0x1c: {  	p1 =	slt.u32 s9, $0xF7A;
	s5 =	simm.s32 @!p2 $0x0  }
0x1d: {  	s5 =	simm.s32 @p1 $0x1;
	p0 =	seq.s32 s7, s2  }
0x1e: {  	s7 =	smul.u32 @!p0 $0xF7A, s2;
	p2 =	seq.s32 @!p0 s5, $0x0  }
0x1f: {  	s9 =	smul.u32 $0xF7A, s1;
	s8 =	simm.s32 @!p0 $0x1BF5;
	p2 =	por !p2, p0  }
0x20: {  	[sflag:s8] =	ssyncset.s32 @!p0 $0xFFFFF086;
	s6 =	sadd.s32 @!p0 s3, s7;
	s7 =	simm.s32 @!p0 $0x108  }
0x21: {  	s3 =	sadd.s32 s3, s9;
	s6 =	sadd.s32 @!p0 $0x88, s6;
	s7 =	simm.s32 @p2 $0x1082  }
0x22: {  	[simem:s7], [sflag:s8] =	dma.local @!p0 [hbm:s6], $0xF7A  }
0x23: {  	s9 =	sor.u32 $0xD0000000, s2;
	s6 =	simm.s32 $0x108;
	_ =	swait.ge @!p0 [sflag:s8], $0x0  }
0x24: {  	s3 =	sadd.s32 $0x88, s3;
	s6 =	simm.s32 @!p1 $0x1082;
	[sflag:s4] =	ssyncset.s32 $0xFFFFF086  }
0x25: {  	[simem:s6], [sflag:s4] =	dma.local [hbm:s3], $0xF7A  }
0x26: {  	[smem:$0x3F99] =	sst s1;
	(tag) =	ssettag s2;
	_ =	strace s9  }
0x27: {  	s1 =	sld [smem:$0x3FA9]  }
0x28: {  	s2 =	sld [smem:$0x3FAA]  }
0x29: {  	s4 =	sld [smem:$0x3FAC]  }
0x2a: {  	p0 =	seq.s32 s5, $0x0;
	s5 =	sld [smem:$0x3FAD]  }
0x2b: {  	s6 =	sld [smem:$0x3FAE]  }
0x2c: {  	s7 =	sld [smem:$0x3FAF]  }
0x2d: {  	s3 =	simm.s32 $0x108;
	s8 =	sld [smem:$0x3FB0]  }
0x2e: {  	s3 =	simm.s32 @!p0 $0x1082;
	s9 =	sld [smem:$0x3FB1]  }
0x2f: {  	lr =	sadd.s32 s0, s3;
	s0 =	sld [smem:$0x3FA8]  }
0x30: {  	s3 =	sld [smem:$0x3FAB]  }
0x31: {  	[smem:$0x3FB4] =	sst s10  }
0x32: {  	s10 =	sld [smem:$0x3FB2];
	_ =	sdelay $0x3  }
0x33: {  	p0 =	seq.s32 s10, $0x1;
	s10 =	sld [smem:$0x3FB4];
	_ =	sdelay $0x3  }
0x34: {  	[smem:$0x3FB4] =	sst s10  }
0x35: {  	s10 =	sld [smem:$0x3FB3];
	_ =	sdelay $0x3  }
0x36: {  	p1 =	seq.s32 s10, $0x1;
	s10 =	sld [smem:$0x3FB4];
	_ =	sdelay $0x3  }
0x37: {  	[smem:$0x3FB4] =	sst s10  }
0x38: {  	s10 =	sld [smem:$0x3FB5]  }
0x39: {  	_ = 	snop;
	(pc) =	sbr.ind lr, $3  }
0x3a: {  	_ = 	snop  }
0x3b: {  	_ = 	snop  }
0x3c: {  	p2 =	seq.s32 s10, $0x1;
	s10 =	sld [smem:$0x3FB4]  }
0x3d: {  	_ =	shalt  }
0x3e: {  	_ =	shalt  }
0x3f: {  	_ =	shalt  }
0x40: {  	_ =	shalt  }
0x41: {  	_ =	shalt  }
0x42: {  	_ =	shalt  }
0x43: {  	_ =	shalt  }
0x44: {  	_ =	shalt  }
0x45: {  	_ =	shalt  }
0x46: {  	_ =	shalt  }
0x47: {  	_ =	shalt  }
0x48: {  	_ =	shalt  }
0x49: {  	_ =	shalt  }
0x4a: {  	_ =	shalt  }
0x4b: {  	_ =	shalt  }
0x4c: {  	_ =	shalt  }
0x4d: {  	_ =	shalt  }
0x4e: {  	_ =	shalt  }
0x4f: {  	_ =	shalt  }
0x50: {  	_ =	shalt  }
0x51: {  	_ =	shalt  }
0x52: {  	_ =	shalt  }
0x53: {  	_ =	shalt  }
0x54: {  	_ =	shalt  }
0x55: {  	_ =	shalt  }
0x56: {  	_ =	shalt  }
0x57: {  	_ =	shalt  }
0x58: {  	_ =	shalt  }
0x59: {  	_ =	shalt  }
0x5a: {  	_ =	shalt  }
0x5b: {  	_ =	shalt  }
0x5c: {  	_ =	shalt  }
0x5d: {  	_ =	shalt  }
0x5e: {  	_ =	shalt  }
0x5f: {  	_ =	shalt  }
0x60: {  	_ =	shalt  }
0x61: {  	_ =	shalt  }
0x62: {  	_ =	shalt  }
0x63: {  	_ =	shalt  }
0x64: {  	_ =	shalt  }
0x65: {  	_ =	shalt  }
0x66: {  	_ =	shalt  }
0x67: {  	_ =	shalt  }
0x68: {  	_ =	shalt  }
0x69: {  	_ =	shalt  }
0x6a: {  	_ =	shalt  }
0x6b: {  	_ =	shalt  }
0x6c: {  	_ =	shalt  }
0x6d: {  	_ =	shalt  }
0x6e: {  	_ =	shalt  }
0x6f: {  	_ =	shalt  }
0x70: {  	_ =	shalt  }
0x71: {  	_ =	shalt  }
0x72: {  	_ =	shalt  }
0x73: {  	_ =	shalt  }
0x74: {  	_ =	shalt  }
0x75: {  	_ =	shalt  }
0x76: {  	_ =	shalt  }
0x77: {  	_ =	shalt  }
0x78: {  	_ =	shalt  }
0x79: {  	_ =	shalt  }
0x7a: {  	_ =	shalt  }
0x7b: {  	_ =	shalt  }
0x7c: {  	_ =	shalt  }
0x7d: {  	_ =	shalt  }
0x7e: {  	_ =	shalt  }
0x7f: {  	_ =	shalt  }
0x80: {  	_ =	shalt  }
0x81: {  	_ =	shalt  }
0x82: {  	_ =	shalt  }
0x83: {  	_ =	shalt  }
0x84: {  	_ =	shalt  }
0x85: {  	_ =	shalt  }
0x86: {  	_ =	shalt  }
0x87: {  	_ =	shalt  }
.Lfunc_end0:
.L_simem_size_0:
called_computation.1_lowered:
.L_overlay_start_0:
0x88: {  	s2 =	sld [smem:$0x3FD9]  }
0x89: {  	s3 =	sld [smem:$0x3FFE];
	_ =	sdelay $0x1  }
0x8a: {  	s1 =	srdreg.scid  }
0x8b: {  	s0 =	sand.u32 $0x1, s1  }
0x8c: {  	s14 =	sshll.u32 s0, $0xA;
	s2 =	sadd.s32 s3, s2  }
0x8d: {  	s2 =	sadd.s32 s2, s14  }
0x8e: {  	[smem:$0x3FC0] =	sst s2  }
0x8f: {  	_ = 	snop  }
0x90: {  	s2 =	sld [smem:$0x3FD0];
	_ =	sdelay $0x2  }
0x91: {  	s15 =	simm.s32 $0xA;
	s4 =	simm.s32 $0x10  }
0x92: {  	[smem:s4], [sflag:s15] =	dma.local [hbm:s2], $0x1  }
0x93: {  	_ =	swait.eq [sflag:s15], $0x1  }
0x94: {  	[sflag:s15] =	ssyncset.done $0x0  }
0x95: {  	[sflag:s15] =	ssyncadd.s32 $0xFFFFFFFF  }
0x96: {  	s16 =	sld [smem:$0x10];
	(tm) =	ssettm $0x1  }
0x97: {  	s17 =	sld [smem:$0x3FFB];
	_ =	sdelay $0x3  }
0x98: {  	_ =	strace s17  }
0x99: {  	s3 =	sld [smem:$0x3FFC];
	_ =	sdelay $0x3  }
0x9a: {  	_ =	strace s3  }
0x9b: {  	s3 =	sld [smem:$0x3FFD];
	_ =	sdelay $0x3  }
0x9c: {  	_ =	strace s3  }
0x9d: {  	_ =	strace $0x8FFFFFFF  }
0x9e: {  	s18 =	sld [smem:$0x3FDB];
	_ =	sdelay $0x1  }
0x9f: {  	s19 =	simm.s32 $_scs_section_size  }
0xa0: {  	s5 =	simm.s32 $_size__tile_overlayer_lowered;
	s6 =	simm.s32 $_tile_overlayer_lowered  }
0xa1: {  	s22 =	simm.s32 $0x1BFF;
	s21 =	sshll.u32 s6, $0x1;
	s3 =	sadd.s32 s19, s18  }
0xa2: {  	s7 =	simm.s32 $0x0;
	s20 =	sshll.u32 s5, $0x1;
	s5 =	sadd.s32 s21, s3  }
0xa3: {  	[timem:s7], [sflag:s22] =	dma.local [hbm:s5], s20  }
0xa4: {  	_ =	swait.ge [sflag:s22], s20  }
0xa5: {  	s4 =	ssub.s32 $0x0, s20;
	[sflag:s22] =	ssyncset.done $0x0  }
0xa6: {  	[sflag:s22] =	ssyncadd.s32 s4;
	_ =	sdelay $0x1  }
0xa7: {  	s23 =	simm.s32 $0x1B8B  }
0xa8: {  	_ =	swait.ge [sflag:s23], $0x1  }
0xa9: {  	[sflag:s23] =	ssyncset.done $0x0  }
0xaa: {  	s25 =	simm.s32 $0x1B8E;
	s24 =	sld [smem:$0x3FFE];
	[sflag:s23] =	ssyncadd.s32 $0xFFFFFFFF  }
0xab: {  	s26 =	simm.s32 $execute0_lowered;
	[smem:$0x3FD2] =	sst s25  }
0xac: {  	s5 =	sshll.u32 s26, $0x1;
	_ =	strace $0x80000049;
	[dreg:$0x1] =	wrdreg $0xFFFFFFFF  }
0xad: {  	s28 =	simm.s32 $_size_execute0_lowered;
	s3 =	sadd.s32 s3, s5;
	[dreg:$0x0] =	wrdreg $0x0  }
0xae: {  	s5 =	sshll.u32 s28, $0x1;
	[dreg:$0x2] =	wrdreg s3  }
0xaf: {  	[dreg:$0x3] =	wrdreg s5  }
0xb0: {  	[dreg:$0x4] =	wrdreg $0xC0  }
0xb1: {  	_ =	task [dreg:s7], $0x5FFFF  }
0xb2: {  	[dreg:$0x1] =	wrdreg $0xFFFFFFFF  }
0xb3: {  	[dreg:$0x0] =	wrdreg $0x60  }
0xb4: {  	[dreg:$0x2] =	wrdreg s24  }
0xb5: {  	[dreg:$0x3] =	wrdreg s16  }
0xb6: {  	[dreg:$0x4] =	wrdreg $0x9  }
0xb7: {  	_ =	task.clear_ibuf [dreg:s7], $0x5FFFF;
	_ =	strace $0x90000049  }
0xb8: {  	s29 =	simm.s32 $0x9;
	_ =	strace $0x8000004B  }
0xb9: {  	_ =	swait.ge [sflag:s29], $0x1  }
0xba: {  	[sflag:s29] =	ssyncadd.s32 $0xFFFFFFFF  }
0xbb: {  	_ =	strace $0x9000004B  }
0xbc: {  	_ =	sfence  }
0xbd: {  	s30 =	sld [smem:$0x0];
	_ =	sdelay $0x2  }
0xbe: {  	s31 =	sshll.u32 s1, $0xD;
	s1 =	sshrl.u32 s1, $0x2  }
0xbf: {  	s3 =	sand.u32 $0x4000, s31;
	s1 =	sadd.s32 s1, s30  }
0xc0: {  	s0 =	sor.u32 s3, s0;
	s1 =	sshll.u32 s1, $0x11  }
0xc1: {  	s0 =	sor.u32 s1, s0  }
0xc2: {  	s0 =	sadd.s32 $0x8F2B, s0  }
0xc3: {  	[sflag:s0] =	ssyncadd.remote.s32 $0x1  }
0xc4: {  	_ =	sfence.sel $0xFFFF  }
0xc5: {  	[dreg:$0x0] =	wrdreg $0xFFFFFFFF;
	(pc) =	sbr.abs _section_cstart, $3  }
0xc6: {  	[dreg:$0x1] =	wrdreg $0xFFFFFFFF  }
0xc7: {  	_ =	task.clear_ibuf [dreg:s7], $0x2FFFF;
	_ =	strace $0x9FFFFFFF  }
0xc8: {  	(tm) =	ssettm $0x7FFFFFFF  }
0xc9: {  	_ =	shalt  }
tec
execute0_lowered:
.L_overlay_start_1:
0x0: {  	(tag) =	ssettag $0x1  }
0x1: {  	s0 =	rddreg [dreg:$0x0]  }
0x2: {  	s4 =	rddreg [dreg:$0x1];
	s2 =	srdreg.scid  }
0x3: {  	s1 =	stileid.u32;
	s25 =	simm.s32 $0x880;
	s26 =	simm.s32 $0x1080  }
0x4: {  	s10 =	simm.s32 $0x2080;
	s11 =	simm.s32 $0x2880;
	s12 =	simm.s32 $0x3080  }
0x5: {  	s13 =	simm.s32 $0x3880;
	s14 =	simm.s32 $0x4080;
	s15 =	simm.s32 $0x4880  }
0x6: {  	s16 =	simm.s32 $0x5080;
	s17 =	simm.s32 $0x5880;
	s18 =	simm.s32 $0x6080  }
0x7: {  	s19 =	simm.s32 $0x6880;
	s20 =	simm.s32 $0x7080;
	s21 =	simm.s32 $0x7880  }
0x8: {  	s22 =	simm.s32 $0x8080;
	s28 =	simm.s32 $0xA880;
	s29 =	simm.s32 $0xB080  }
0x9: {  	s30 =	simm.s32 $0xB880;
	s31 =	simm.s32 $0x1;
	s5 =	sand.u32 $0x1, s2  }
0xa: {  	s2 =	simm.s32 $0x0;
	s3 =	sshll.u32 s1, $0x4;
	s6 =	sshll.u32 s5, $0x3  }
0xb: {  	[smem:$0x7FF] =	sst s2;
	s5 =	ssub.s32 $0x2, s5;
	s6 =	sor.u32 s6, s3  }
0xc: {  	_ =	strace $0x8000004A;
	s3 =	sadd.s32 $0x1A00, s0;
	[dreg:$0x6] =	wrdreg s25  }
0xd: {  	s9 =	sshrl.u32 s5, $0x1;
	[dreg:$0x7] =	wrdreg s26;
	s25 =	simm.s32 $0x9880  }
0xe: {  	s26 =	simm.s32 $0xA080;
	s7 =	smul.u32 $0x1800, s6;
	s8 =	sadd.s32 s6, s0  }
0xf: {  	s6 =	smul.u32 $0x300, s6;
	s23 =	ssub.s32 s5, s9;
	s8 =	sadd.s32 $0x1800, s8  }
0x10: {  	s5 =	sadd.s32 $0x1C00, s0;
	s7 =	sshrl.u32 s7, $0x3;
	[dreg:$0x3] =	wrdreg s8  }
0x11: {  	s6 =	sadd.s32 s4, s6;
	s8 =	simm.s32 $0x80;
	s4 =	sadd.s32 s4, s7  }
0x12: {  	v2 =	vlaneseq.u32;
	[dreg:$0x4] =	wrdreg s6;
	s6 =	smax.u32 s23, $0x1;
	s7 =	simm.s32 $0x3  }
0x13: {  	vm0 =	vmmov $0xffff;
	v1 =	vshrl.u32 v2, $0x3;
	s23 =	simm.s32 $0x8880;
	s24 =	sadd.s32 $0xC00, s4;
	s4 =	sadd.s32 $0x1B00, s0  }
0x14: {  	v0 =	vand.u32 $0x7, v2;
	v2 =	vor.u32 $0x8, v2;
	v1 =	vmul.u32 $0x8, v1;
	s0 =	simm.s32 $0x2;
	[dreg:$0x5] =	wrdreg s24;
	s24 =	simm.s32 $0x9080  }
.LBB2_1:
0x15: {  	s1 =	rddreg [dreg:$0x3]  }
0x16: {  	[tilespmem:s2], [sflag:$0x3] =	stream.linear.gather [hbm4b:s1+s2], $0x40, $0x38;
	[tilespmem:$0xC080] =	vst v63  }
0x17: {  	_ =	swait.ge [sflag:s7], $0x40  }
0x18: {  	[sflag:s7] =	ssyncset.done $0x0  }
0x19: {  	[sflag:s7] =	ssyncadd.s32 $0xFFFFFFC0  }
0x1a: {  	v3 =	vld [tilespmem:$0x0];
	_ =	sdelay $0x4  }
0x1b: {  	v4 =	vshrl.u32 v3, $0x3  }
0x1c: {  	v4 =	vmul.u32 $0x30, v4  }
0x1d: {  	v3 =	vand.u32 $0x7, v3  }
0x1e: {  	v3 =	vor.u32 v3, v4  }
0x1f: {  	v4 =	vperm.xlane v3, v0;
	_ =	sdelay $0x1  }
0x20: {  	v4 =	vadd.s32 v1, v4;
	_ =	sdelay $0x3  }
0x21: {  	v3 =	vperm.xlane v3, v2  }
0x22: {  	[tilespmem:s8], [sflag:$0x1] =	stream.indirect_vreg.gather [hbm4b:s3+s2], $0x80, v4, vm0, $0xb8;
	[tilespmem:$0xC080] =	vst v63  }
0x23: {  	s1 =	rddreg [dreg:$0x6];
	v3 =	vadd.s32 v1, v3  }
0x24: {  	[tilespmem:s1], [sflag:$0x1] =	stream.indirect_vreg.gather [hbm4b:s4+s2], $0x80, v4, vm0, $0xb8;
	[tilespmem:$0xC080] =	vst v63  }
0x25: {  	s9 =	rddreg [dreg:$0x7]  }
0x26: {  	[tilespmem:s9], [sflag:$0x1] =	stream.indirect_vreg.gather [hbm4b:s5+s2], $0x80, v4, vm0, $0xb8;
	[tilespmem:$0xC080] =	vst v63  }
0x27: {  	s9 =	simm.s32 $0x1880  }
0x28: {  	[tilespmem:s9], [sflag:$0x1] =	stream.indirect_vreg.gather [hbm4b:s3+s2], $0x80, v3, vm0, $0xb8;
	[tilespmem:$0xC080] =	vst v63  }
0x29: {  	_ = 	snop  }
0x2a: {  	[tilespmem:s10], [sflag:$0x1] =	stream.indirect_vreg.gather [hbm4b:s4+s2], $0x80, v3, vm0, $0xb8;
	[tilespmem:$0xC080] =	vst v63  }
0x2b: {  	_ = 	snop  }
0x2c: {  	[tilespmem:s11], [sflag:$0x1] =	stream.indirect_vreg.gather [hbm4b:s5+s2], $0x80, v3, vm0, $0xb8;
	[tilespmem:$0xC080] =	vst v63  }
0x2d: {  	v3 =	vld [tilespmem:$0x10];
	_ =	sdelay $0x4  }
0x2e: {  	v61 =	vshrl.u32 v3, $0x3  }
0x2f: {  	v4 =	vmul.u32 $0x30, v61  }
0x30: {  	v3 =	vand.u32 $0x7, v3  }
0x31: {  	v3 =	vor.u32 v3, v4  }
0x32: {  	v4 =	vperm.xlane v3, v0;
	_ =	sdelay $0x1  }
0x33: {  	v4 =	vadd.s32 v1, v4;
	_ =	sdelay $0x3  }
0x34: {  	v3 =	vperm.xlane v3, v2  }
0x35: {  	[tilespmem:s12], [sflag:$0x1] =	stream.indirect_vreg.gather [hbm4b:s3+s2], $0x80, v4, vm0, $0xb8;
	[tilespmem:$0xC080] =	vst v63  }
0x36: {  	v3 =	vadd.s32 v1, v3  }
0x37: {  	[tilespmem:s13], [sflag:$0x1] =	stream.indirect_vreg.gather [hbm4b:s4+s2], $0x80, v4, vm0, $0xb8;
	[tilespmem:$0xC080] =	vst v63  }
0x38: {  	_ = 	snop  }
0x39: {  	[tilespmem:s14], [sflag:$0x1] =	stream.indirect_vreg.gather [hbm4b:s5+s2], $0x80, v4, vm0, $0xb8;
	[tilespmem:$0xC080] =	vst v63  }
0x3a: {  	_ = 	snop  }
0x3b: {  	[tilespmem:s15], [sflag:$0x1] =	stream.indirect_vreg.gather [hbm4b:s3+s2], $0x80, v3, vm0, $0xb8;
	[tilespmem:$0xC080] =	vst v63  }
0x3c: {  	_ = 	snop  }
0x3d: {  	[tilespmem:s16], [sflag:$0x1] =	stream.indirect_vreg.gather [hbm4b:s4+s2], $0x80, v3, vm0, $0xb8;
	[tilespmem:$0xC080] =	vst v63  }
0x3e: {  	_ = 	snop  }
0x3f: {  	[tilespmem:s17], [sflag:$0x1] =	stream.indirect_vreg.gather [hbm4b:s5+s2], $0x80, v3, vm0, $0xb8;
	[tilespmem:$0xC080] =	vst v63  }
0x40: {  	v3 =	vld [tilespmem:$0x20];
	_ =	sdelay $0x4  }
0x41: {  	v62 =	vshrl.u32 v3, $0x3  }
0x42: {  	v4 =	vmul.u32 $0x30, v62  }
0x43: {  	v3 =	vand.u32 $0x7, v3  }
0x44: {  	v3 =	vor.u32 v3, v4  }
0x45: {  	v4 =	vperm.xlane v3, v0;
	_ =	sdelay $0x1  }
0x46: {  	v4 =	vadd.s32 v1, v4;
	_ =	sdelay $0x3  }
0x47: {  	v3 =	vperm.xlane v3, v2  }
0x48: {  	[tilespmem:s18], [sflag:$0x2] =	stream.indirect_vreg.gather [hbm4b:s3+s2], $0x80, v4, vm0, $0xb8;
	[tilespmem:$0xC080] =	vst v63  }
0x49: {  	v3 =	vadd.s32 v1, v3  }
0x4a: {  	[tilespmem:s19], [sflag:$0x2] =	stream.indirect_vreg.gather [hbm4b:s4+s2], $0x80, v4, vm0, $0xb8;
	[tilespmem:$0xC080] =	vst v63  }
0x4b: {  	_ = 	snop  }
0x4c: {  	[tilespmem:s20], [sflag:$0x2] =	stream.indirect_vreg.gather [hbm4b:s5+s2], $0x80, v4, vm0, $0xb8;
	[tilespmem:$0xC080] =	vst v63  }
0x4d: {  	_ = 	snop  }
0x4e: {  	[tilespmem:s21], [sflag:$0x2] =	stream.indirect_vreg.gather [hbm4b:s3+s2], $0x80, v3, vm0, $0xb8;
	[tilespmem:$0xC080] =	vst v63  }
0x4f: {  	_ = 	snop  }
0x50: {  	[tilespmem:s22], [sflag:$0x2] =	stream.indirect_vreg.gather [hbm4b:s4+s2], $0x80, v3, vm0, $0xb8;
	[tilespmem:$0xC080] =	vst v63  }
0x51: {  	_ = 	snop  }
0x52: {  	[tilespmem:s23], [sflag:$0x2] =	stream.indirect_vreg.gather [hbm4b:s5+s2], $0x80, v3, vm0, $0xb8;
	[tilespmem:$0xC080] =	vst v63  }
0x53: {  	v3 =	vld [tilespmem:$0x30];
	_ =	sdelay $0x4  }
0x54: {  	v63 =	vshrl.u32 v3, $0x3  }
0x55: {  	v4 =	vmul.u32 $0x30, v63  }
0x56: {  	v3 =	vand.u32 $0x7, v3  }
0x57: {  	v3 =	vor.u32 v3, v4  }
0x58: {  	v4 =	vperm.xlane v3, v0;
	_ =	sdelay $0x1  }
0x59: {  	v4 =	vadd.s32 v1, v4;
	_ =	sdelay $0x3  }
0x5a: {  	v3 =	vperm.xlane v3, v2  }
0x5b: {  	[tilespmem:s24], [sflag:$0x2] =	stream.indirect_vreg.gather [hbm4b:s3+s2], $0x80, v4, vm0, $0xb8;
	[tilespmem:$0xC080] =	vst v63  }
0x5c: {  	v3 =	vadd.s32 v1, v3  }
0x5d: {  	[tilespmem:s25], [sflag:$0x2] =	stream.indirect_vreg.gather [hbm4b:s4+s2], $0x80, v4, vm0, $0xb8;
	[tilespmem:$0xC080] =	vst v63  }
0x5e: {  	_ = 	snop  }
0x5f: {  	[tilespmem:s26], [sflag:$0x2] =	stream.indirect_vreg.gather [hbm4b:s5+s2], $0x80, v4, vm0, $0xb8;
	[tilespmem:$0xC080] =	vst v63  }
0x60: {  	_ = 	snop  }
0x61: {  	[tilespmem:s28], [sflag:$0x2] =	stream.indirect_vreg.gather [hbm4b:s3+s2], $0x80, v3, vm0, $0xb8;
	[tilespmem:$0xC080] =	vst v63  }
0x62: {  	_ = 	snop  }
0x63: {  	[tilespmem:s29], [sflag:$0x2] =	stream.indirect_vreg.gather [hbm4b:s4+s2], $0x80, v3, vm0, $0xb8;
	[tilespmem:$0xC080] =	vst v63  }
0x64: {  	_ = 	snop  }
0x65: {  	[tilespmem:s30], [sflag:$0x2] =	stream.indirect_vreg.gather [hbm4b:s5+s2], $0x80, v3, vm0, $0xb8;
	[tilespmem:$0xC080] =	vst v63  }
0x66: {  	_ =	swait.ge [sflag:s31], $0x6000  }
0x67: {  	[sflag:s31] =	ssyncset.done $0x0  }
0x68: {  	s9 =	rddreg [dreg:$0x4];
	[sflag:s31] =	ssyncadd.s32 $0xFFFFA000  }
0x69: {  	[hbm4b:s9+s2] =	stream.linear.scatter [tilespmem:s8], [sflag:$0x1], $0x6000, $0x38;
	[tilespmem:$0xC080] =	vst v63  }
0x6a: {  	_ =	swait.ge [sflag:s0], $0x6000  }
0x6b: {  	[sflag:s0] =	ssyncset.done $0x0  }
0x6c: {  	s9 =	rddreg [dreg:$0x5];
	[sflag:s0] =	ssyncadd.s32 $0xFFFFA000  }
0x6d: {  	[hbm4b:s9+s2] =	stream.linear.scatter [tilespmem:s18], [sflag:$0x2], $0x6000, $0x38;
	[tilespmem:$0xC080] =	vst v63  }
0x6e: {  	p0 =	sne.s32 s6, $0x1;
	_ =	swait.ge [sflag:s31], $0x6000  }
.Ltmp0:
0x6f: {  	[sflag:s31] =	ssyncset.done $0x0;
	(pc) =	sbr.rel @p0 .LBB2_1-.Ltmp0, $4  }
0x70: {  	[sflag:s31] =	ssyncadd.s32 $0xFFFFA000  }
0x71: {  	_ =	swait.ge [sflag:s0], $0x6000  }
0x72: {  	[sflag:s0] =	ssyncset.done $0x0  }
0x73: {  	s6 =	sadd.s32 $0xFFFFFFFF, s6;
	[sflag:s0] =	ssyncadd.s32 $0xFFFFA000  }
0x74: {  	_ =	sfence.sel $0x180000  }
0x75: {  	[bflag:$0x0] =	sbarrier.arrive $0xFFFF  }
0x76: {  	_ =	strace $0x9000004A  }
0x77: {  	s0 =	stileid.u32;
	[bflag:$0x2] =	sbarrier.arrive $0xFFFF  }
0x78: {  	p0 =	sne.s32 s0, $0x0;
	s0 =	rddreg [dreg:$0x2]  }
0x79: {  	s0 =	sadd.s32 @!p0 $0x100000, s0  }
0x7a: {  	[sflag:s0] =	ssyncadd.tile.s32 @!p0 $0x1;
	_ =	shalt  }
.Lfunc_end2:
_tile_overlayer_lowered:
.L_overlay_start_2:
0x7b: {  	(tag) =	ssettag $0x2  }
0x7c: {  	s0 =	rddreg [dreg:$0x0];
	s2 =	stileid.u32  }
0x7d: {  	s1 =	rddreg [dreg:$0x1];
	p0 =	sne.s32 s2, $0x0  }
0x7e: {  	s3 =	rddreg [dreg:$0x2];
	[bflag:$0x3] =	sbarrier.arrive $0xFFFF;
	s2 =	simm.s32 @!p0 $0x1C03  }
0x7f: {  	[timem:s3], [sflag:s2] =	dma.local @!p0 [hbm:s0], s1  }
0x80: {  	s0 =	simm.s32 @!p0 $0x3  }
0x81: {  	_ =	swait.ge @!p0 [sflag:s0], s1  }
0x82: {  	s1 =	ssub.s32 @!p0 $0x0, s1;
	[sflag:s0] =	ssyncset.done @!p0 $0x0  }
0x83: {  	[sflag:s0] =	ssyncadd.s32 @!p0 s1  }
0x84: {  	[bflag:$0x3] =	sbarrier.arrive $0xFFFF  }
0x85: {  	_ =	shalt  }

</sc_bundles>
